<compile_context>
chip_gen: v7x
topology: tpu7x:2x2x1
jax: 0.10.2.dev20260603
libtpu: 0.0.44.dev20260713+nightly
codegen_flags: <defaults>
</compile_context>

<pallas_src>
import functools

import jax
import jax.numpy as jnp
from jax import lax
from jax.experimental import pallas as pl
from jax.experimental.pallas import tpu as pltpu
from jax.experimental.pallas import tpu_sc as plsc

ENT_NUM = 100000
EMB_DIM = 64
BATCH = 128
PI = 3.141592653589793

E_BLK = 3584
N_EBLK = (ENT_NUM + E_BLK - 1) // E_BLK

_NC, _NS = 2, 16
_ROWS_PER_W = BATCH // (_NC * _NS) * 2


def _sc_gather_body(ent_hbm, hidx_hbm, rel_hbm, ridx_hbm, h_out, r_out,
                    hidx_v, hrow_v, ridx_v, rrow_v, sem):
    wid = lax.axis_index("s") * _NC + lax.axis_index("c")

    @pl.when(wid < _NS)
    def _():
        base = wid * _ROWS_PER_W
        pltpu.sync_copy(hidx_hbm.at[pl.ds(base, _ROWS_PER_W)], hidx_v)
        pltpu.async_copy(ent_hbm.at[hidx_v], hrow_v, sem).wait()
        pltpu.sync_copy(hrow_v, h_out.at[pl.ds(base, _ROWS_PER_W)])

    @pl.when(wid >= _NS)
    def _():
        base = (wid - _NS) * _ROWS_PER_W
        pltpu.sync_copy(ridx_hbm.at[pl.ds(base, _ROWS_PER_W)], ridx_v)
        pltpu.async_copy(rel_hbm.at[ridx_v], rrow_v, sem).wait()
        pltpu.sync_copy(rrow_v, r_out.at[pl.ds(base, _ROWS_PER_W)])


@functools.cache
def _get_sc_gather():
    return functools.partial(
        pl.kernel,
        out_type=(
            jax.ShapeDtypeStruct((BATCH, 2 * EMB_DIM), jnp.float32),
            jax.ShapeDtypeStruct((BATCH, 2 * EMB_DIM), jnp.float32),
        ),
        mesh=plsc.VectorSubcoreMesh(core_axis_name="c", subcore_axis_name="s",
                                    num_cores=_NC, num_subcores=_NS),
        scratch_types=[
            pltpu.VMEM((_ROWS_PER_W,), jnp.int32),
            pltpu.VMEM((_ROWS_PER_W, 2 * EMB_DIM), jnp.float32),
            pltpu.VMEM((_ROWS_PER_W,), jnp.int32),
            pltpu.VMEM((_ROWS_PER_W, 2 * EMB_DIM), jnp.float32),
            pltpu.SemaphoreType.DMA,
        ],
    )(_sc_gather_body)


def _pred_body(h_ref, r_ref, predt_ref):
    h = h_ref[...]
    re = h[:, :EMB_DIM]
    im = h[:, EMB_DIM:]
    den = jnp.sqrt(re * re + im * im) + 1e-08
    re = re / den
    im = im / den
    r = r_ref[...][:, :EMB_DIM] / (EMB_DIM / PI)
    cr = jnp.cos(r)
    sr = jnp.sin(r)
    re_hr = re * cr - im * sr
    im_hr = re * sr + im * cr
    predt_ref[...] = jnp.concatenate([re_hr, im_hr], axis=-1)


def _score_body(ent_ref, predt_ref, out_ref):
    et = ent_ref[...].T
    re = et[:EMB_DIM, :]
    im = et[EMB_DIM:, :]
    inv = 1.0 / (jnp.sqrt(re * re + im * im) + 1e-08)
    tn = jnp.concatenate([re * inv, im * inv], axis=0)

    p = predt_ref[...].T
    ones = jnp.ones((1, 2 * EMB_DIM), jnp.float32)
    rows = []
    for jj in range(BATCH):
        x = jnp.abs(tn - p[:, jj:jj + 1])
        rows.append(jnp.dot(ones, x, preferred_element_type=jnp.float32))
    s = jnp.concatenate(rows, axis=0)
    out_ref[...] = jax.nn.sigmoid(9.0 - s)


def kernel(head, ent_emb, rel_emb):
    h_idx = head[:, 0]
    r_idx = head[:, 1]
    rel_pad = jnp.pad(rel_emb, ((0, 0), (0, EMB_DIM)))
    h_rows, r_rows = _get_sc_gather()(ent_emb, h_idx, rel_pad, r_idx)

    predt = pl.pallas_call(
        _pred_body,
        out_shape=jax.ShapeDtypeStruct((BATCH, 2 * EMB_DIM), jnp.float32),
    )(h_rows, r_rows)

    out = pl.pallas_call(
        _score_body,
        grid=(N_EBLK,),
        in_specs=[
            pl.BlockSpec((E_BLK, 2 * EMB_DIM), lambda i: (i, 0)),
            pl.BlockSpec((BATCH, 2 * EMB_DIM), lambda i: (0, 0)),
        ],
        out_specs=pl.BlockSpec((BATCH, E_BLK), lambda i: (0, i)),
        out_shape=jax.ShapeDtypeStruct((BATCH, ENT_NUM), jnp.float32),
    )(ent_emb, predt)
    return out

# --- scband reference (transcript-rebuilt; emitter-appended) ---
"""Pipeline reference for scband-rotat-e-79044578115795 (READ-ONLY COPY).

The authoritative reference and input builder live on the scoring server;
editing this copy changes nothing except your own understanding.
"""

import jax, jax.numpy as jnp
import numpy as np

ENT_NUM = 100000
REL_NUM = 500
EMB_DIM = 64
BATCH = 128
PI = 3.141592653589793


def _xavier(key, shape):
    std = float(np.sqrt(2.0 / (shape[0] + shape[1])))
    return jax.random.normal(key, shape, dtype=jnp.float32) * std


def setup_inputs(seed: int = 0):
    key = jax.random.key(seed)
    k1, k2, k3 = jax.random.split(key, 3)
    head = jax.random.randint(k1, (BATCH, 3), 0, REL_NUM, dtype=jnp.int32)
    ent_emb = _xavier(k2, (ENT_NUM, 2 * EMB_DIM))
    rel_emb = _xavier(k3, (REL_NUM, EMB_DIM))
    return {"head": head, "ent_emb": ent_emb, "rel_emb": rel_emb}


def _ent_norm(e):
    re_emb, im_emb = jnp.split(e, 2, axis=-1)
    den = jnp.sqrt(re_emb ** 2 + im_emb ** 2)
    re_emb = re_emb / (den + 1e-08)
    im_emb = im_emb / (den + 1e-08)
    return jnp.concatenate([re_emb, im_emb], axis=-1)


def _rel_norm(r):
    return r / (EMB_DIM / PI)


def reference(head, ent_emb, rel_emb):
    # prepare_indices: head is [B, 3] -> (h_idx, r_idx, t_idx); forward uses h, r
    h_idx = head[:, 0]
    r_idx = head[:, 1]
    # embedding lookup (index_select)
    h = jnp.take(ent_emb, h_idx, axis=0)
    r = jnp.take(rel_emb, r_idx, axis=0)
    h = _ent_norm(h)
    r = _rel_norm(r)
    t_all = _ent_norm(ent_emb)
    re_head, im_head = jnp.split(h, 2, axis=-1)
    cos_r = jnp.cos(r)
    sin_r = jnp.sin(r)
    re_hr = re_head * cos_r - im_head * sin_r
    im_hr = re_head * sin_r + im_head * cos_r
    pred_t = jnp.concatenate([re_hr, im_hr], axis=-1)  # [B, 2*EMB_DIM]

    # score = 9.0 - || pred_t[:, None, :] - t_all[None, :, :] ||_1  (chunked to bound memory)
    def score_one(p):
        return 9.0 - jnp.sum(jnp.abs(p[None, :] - t_all), axis=-1)

    score = jax.lax.map(jax.checkpoint(score_one), pred_t)  # [B, ENT_NUM]
    return jax.nn.sigmoid(score)

if __name__ == "__main__":
    import jax
    _d = setup_inputs()
    print(jax.jit(kernel)(*tuple(_d.values())))

</pallas_src>

<mosaic_0001>
#map = affine_map<(d0, d1) -> (0, 0)>
#map1 = affine_map<(d0, d1) -> (0)>
module attributes {stable_mosaic.version = 14 : i64} {
  func.func @_sc_gather_body(%arg0: i32, %arg1: i32, %arg2: memref<100000x128xf32, #tpu.memory_space<hbm>>, %arg3: memref<128xi32, #tpu.memory_space<hbm>>, %arg4: memref<500x128xf32, #tpu.memory_space<hbm>>, %arg5: memref<128xi32, #tpu.memory_space<hbm>>, %arg6: memref<128x128xf32, #tpu.memory_space<hbm>>, %arg7: memref<128x128xf32, #tpu.memory_space<hbm>>, %arg8: memref<8xi32, #tpu.memory_space<vmem>>, %arg9: memref<8x128xf32, #tpu.memory_space<vmem>>, %arg10: memref<8xi32, #tpu.memory_space<vmem>>, %arg11: memref<8x128xf32, #tpu.memory_space<vmem>>, %arg12: memref<!tpu.dma_semaphore, #tpu.memory_space<semaphore_mem>>) attributes {dimension_semantics = [#tpu.dimension_semantics<core_parallel>, #tpu.dimension_semantics<subcore_parallel>], iteration_bounds = array<i64: 2, 16>, scalar_prefetch = 0 : i64, scratch_operands = 5 : i64, tpu.core_type = #tpu.core_type<sc_vector_subcore>, window_params = [{transform_indices = #map}, {transform_indices = #map1}, {transform_indices = #map}, {transform_indices = #map1}, {transform_indices = #map}, {transform_indices = #map}]} {
    %mul3A = arith.constant 2 : i32
    %mul3A_0 = arith.muli %arg1, %mul3A : i32
    %add3A = arith.addi %mul3A_0, %arg0 : i32
    %lt3A = arith.constant 16 : i32
    %lt3A_1 = arith.cmpi slt, %add3A, %lt3A : i32
    %convert_element_type3A = arith.extui %lt3A_1 : i1 to i32
    %cond3A = arith.constant 0 : i32
    %cond3A_2 = arith.cmpi ne, %convert_element_type3A, %cond3A : i32
    scf.if %cond3A_2 {
      %mul3A_7 = arith.constant 8 : i32
      %mul3A_8 = arith.muli %add3A, %mul3A_7 : i32
      "tpu.region"() ({
        %run_scoped3A = tpu.sem_alloc : memref<!tpu.dma_semaphore, #tpu.memory_space<semaphore_mem>>
        %dma_start3A_13 = tpu.memref_slice %arg3[%mul3A_8] : memref<128xi32, #tpu.memory_space<hbm>> -> memref<8xi32, #tpu.memory_space<hbm>>
        %dma_start3A_14 = tpu.memref_slice %arg3[%mul3A_8] : memref<128xi32, #tpu.memory_space<hbm>> -> memref<8xi32, #tpu.memory_space<hbm>>
        tpu.enqueue_dma source(%dma_start3A_14 : memref<8xi32, #tpu.memory_space<hbm>>) target(%arg8 : memref<8xi32, #tpu.memory_space<vmem>>) target_semaphore(%run_scoped3A : memref<!tpu.dma_semaphore, #tpu.memory_space<semaphore_mem>>)
        %dma_wait3A_15 = tpu.memref_slice %arg3[%mul3A_8] : memref<128xi32, #tpu.memory_space<hbm>> -> memref<8xi32, #tpu.memory_space<hbm>>
        %dma_wait3A_16 = tpu.memref_slice %arg3[%mul3A_8] : memref<128xi32, #tpu.memory_space<hbm>> -> memref<8xi32, #tpu.memory_space<hbm>>
        tpu.wait_dma2 semaphore(%run_scoped3A : memref<!tpu.dma_semaphore, #tpu.memory_space<semaphore_mem>>) src(%dma_wait3A_16 : memref<8xi32, #tpu.memory_space<hbm>>) dst(%arg8 : memref<8xi32, #tpu.memory_space<vmem>>)
        tpu.yield
      }) : () -> ()
      %dma_start3A = arith.constant 0 : i32
      %dma_start3A_9 = arith.constant 0 : i32
      %dma_start3A_10 = tpu.memref_slice %arg2[%dma_start3A, %dma_start3A_9] : memref<100000x128xf32, #tpu.memory_space<hbm>> -> memref<100000x128xf32, #tpu.memory_space<hbm>>
      tpu.enqueue_indirect_dma source(%dma_start3A_10 : memref<100000x128xf32, #tpu.memory_space<hbm>>) target(%arg9 : memref<8x128xf32, #tpu.memory_space<vmem>>) offsets(%arg8 : memref<8xi32, #tpu.memory_space<vmem>>) semaphore(%arg12 : memref<!tpu.dma_semaphore, #tpu.memory_space<semaphore_mem>>)
      %dma_wait3A = arith.constant 0 : i32
      %dma_wait3A_11 = arith.constant 0 : i32
      %dma_wait3A_12 = tpu.memref_slice %arg2[%dma_wait3A, %dma_wait3A_11] : memref<100000x128xf32, #tpu.memory_space<hbm>> -> memref<100000x128xf32, #tpu.memory_space<hbm>>
      tpu.wait_indirect_dma semaphore(%arg12 : memref<!tpu.dma_semaphore, #tpu.memory_space<semaphore_mem>>) src(%dma_wait3A_12 : memref<100000x128xf32, #tpu.memory_space<hbm>>) dst(%arg9 : memref<8x128xf32, #tpu.memory_space<vmem>>)
      "tpu.region"() ({
        %run_scoped3A = tpu.sem_alloc : memref<!tpu.dma_semaphore, #tpu.memory_space<semaphore_mem>>
        %dma_start3A_13 = arith.constant 0 : i32
        %dma_start3A_14 = tpu.memref_slice %arg6[%mul3A_8, %dma_start3A_13] : memref<128x128xf32, #tpu.memory_space<hbm>> -> memref<8x128xf32, #tpu.memory_space<hbm>>
        %dma_start3A_15 = arith.constant 0 : i32
        %dma_start3A_16 = tpu.memref_slice %arg6[%mul3A_8, %dma_start3A_15] : memref<128x128xf32, #tpu.memory_space<hbm>> -> memref<8x128xf32, #tpu.memory_space<hbm>>
        tpu.enqueue_dma source(%arg9 : memref<8x128xf32, #tpu.memory_space<vmem>>) target(%dma_start3A_16 : memref<8x128xf32, #tpu.memory_space<hbm>>) target_semaphore(%run_scoped3A : memref<!tpu.dma_semaphore, #tpu.memory_space<semaphore_mem>>)
        %dma_wait3A_17 = arith.constant 0 : i32
        %dma_wait3A_18 = tpu.memref_slice %arg6[%mul3A_8, %dma_wait3A_17] : memref<128x128xf32, #tpu.memory_space<hbm>> -> memref<8x128xf32, #tpu.memory_space<hbm>>
        %dma_wait3A_19 = arith.constant 0 : i32
        %dma_wait3A_20 = tpu.memref_slice %arg6[%mul3A_8, %dma_wait3A_19] : memref<128x128xf32, #tpu.memory_space<hbm>> -> memref<8x128xf32, #tpu.memory_space<hbm>>
        tpu.wait_dma2 semaphore(%run_scoped3A : memref<!tpu.dma_semaphore, #tpu.memory_space<semaphore_mem>>) src(%arg9 : memref<8x128xf32, #tpu.memory_space<vmem>>) dst(%dma_wait3A_20 : memref<8x128xf32, #tpu.memory_space<hbm>>)
        tpu.yield
      }) : () -> ()
    } else {
    }
    %ge3A = arith.constant 16 : i32
    %ge3A_3 = arith.cmpi sge, %add3A, %ge3A : i32
    %convert_element_type3A_4 = arith.extui %ge3A_3 : i1 to i32
    %cond3A_5 = arith.constant 0 : i32
    %cond3A_6 = arith.cmpi ne, %convert_element_type3A_4, %cond3A_5 : i32
    scf.if %cond3A_6 {
      %sub3A = arith.constant 16 : i32
      %sub3A_7 = arith.subi %add3A, %sub3A : i32
      %mul3A_8 = arith.constant 8 : i32
      %mul3A_9 = arith.muli %sub3A_7, %mul3A_8 : i32
      "tpu.region"() ({
        %run_scoped3A = tpu.sem_alloc : memref<!tpu.dma_semaphore, #tpu.memory_space<semaphore_mem>>
        %dma_start3A_14 = tpu.memref_slice %arg5[%mul3A_9] : memref<128xi32, #tpu.memory_space<hbm>> -> memref<8xi32, #tpu.memory_space<hbm>>
        %dma_start3A_15 = tpu.memref_slice %arg5[%mul3A_9] : memref<128xi32, #tpu.memory_space<hbm>> -> memref<8xi32, #tpu.memory_space<hbm>>
        tpu.enqueue_dma source(%dma_start3A_15 : memref<8xi32, #tpu.memory_space<hbm>>) target(%arg10 : memref<8xi32, #tpu.memory_space<vmem>>) target_semaphore(%run_scoped3A : memref<!tpu.dma_semaphore, #tpu.memory_space<semaphore_mem>>)
        %dma_wait3A_16 = tpu.memref_slice %arg5[%mul3A_9] : memref<128xi32, #tpu.memory_space<hbm>> -> memref<8xi32, #tpu.memory_space<hbm>>
        %dma_wait3A_17 = tpu.memref_slice %arg5[%mul3A_9] : memref<128xi32, #tpu.memory_space<hbm>> -> memref<8xi32, #tpu.memory_space<hbm>>
        tpu.wait_dma2 semaphore(%run_scoped3A : memref<!tpu.dma_semaphore, #tpu.memory_space<semaphore_mem>>) src(%dma_wait3A_17 : memref<8xi32, #tpu.memory_space<hbm>>) dst(%arg10 : memref<8xi32, #tpu.memory_space<vmem>>)
        tpu.yield
      }) : () -> ()
      %dma_start3A = arith.constant 0 : i32
      %dma_start3A_10 = arith.constant 0 : i32
      %dma_start3A_11 = tpu.memref_slice %arg4[%dma_start3A, %dma_start3A_10] : memref<500x128xf32, #tpu.memory_space<hbm>> -> memref<500x128xf32, #tpu.memory_space<hbm>>
      tpu.enqueue_indirect_dma source(%dma_start3A_11 : memref<500x128xf32, #tpu.memory_space<hbm>>) target(%arg11 : memref<8x128xf32, #tpu.memory_space<vmem>>) offsets(%arg10 : memref<8xi32, #tpu.memory_space<vmem>>) semaphore(%arg12 : memref<!tpu.dma_semaphore, #tpu.memory_space<semaphore_mem>>)
      %dma_wait3A = arith.constant 0 : i32
      %dma_wait3A_12 = arith.constant 0 : i32
      %dma_wait3A_13 = tpu.memref_slice %arg4[%dma_wait3A, %dma_wait3A_12] : memref<500x128xf32, #tpu.memory_space<hbm>> -> memref<500x128xf32, #tpu.memory_space<hbm>>
      tpu.wait_indirect_dma semaphore(%arg12 : memref<!tpu.dma_semaphore, #tpu.memory_space<semaphore_mem>>) src(%dma_wait3A_13 : memref<500x128xf32, #tpu.memory_space<hbm>>) dst(%arg11 : memref<8x128xf32, #tpu.memory_space<vmem>>)
      "tpu.region"() ({
        %run_scoped3A = tpu.sem_alloc : memref<!tpu.dma_semaphore, #tpu.memory_space<semaphore_mem>>
        %dma_start3A_14 = arith.constant 0 : i32
        %dma_start3A_15 = tpu.memref_slice %arg7[%mul3A_9, %dma_start3A_14] : memref<128x128xf32, #tpu.memory_space<hbm>> -> memref<8x128xf32, #tpu.memory_space<hbm>>
        %dma_start3A_16 = arith.constant 0 : i32
        %dma_start3A_17 = tpu.memref_slice %arg7[%mul3A_9, %dma_start3A_16] : memref<128x128xf32, #tpu.memory_space<hbm>> -> memref<8x128xf32, #tpu.memory_space<hbm>>
        tpu.enqueue_dma source(%arg11 : memref<8x128xf32, #tpu.memory_space<vmem>>) target(%dma_start3A_17 : memref<8x128xf32, #tpu.memory_space<hbm>>) target_semaphore(%run_scoped3A : memref<!tpu.dma_semaphore, #tpu.memory_space<semaphore_mem>>)
        %dma_wait3A_18 = arith.constant 0 : i32
        %dma_wait3A_19 = tpu.memref_slice %arg7[%mul3A_9, %dma_wait3A_18] : memref<128x128xf32, #tpu.memory_space<hbm>> -> memref<8x128xf32, #tpu.memory_space<hbm>>
        %dma_wait3A_20 = arith.constant 0 : i32
        %dma_wait3A_21 = tpu.memref_slice %arg7[%mul3A_9, %dma_wait3A_20] : memref<128x128xf32, #tpu.memory_space<hbm>> -> memref<8x128xf32, #tpu.memory_space<hbm>>
        tpu.wait_dma2 semaphore(%run_scoped3A : memref<!tpu.dma_semaphore, #tpu.memory_space<semaphore_mem>>) src(%arg11 : memref<8x128xf32, #tpu.memory_space<vmem>>) dst(%dma_wait3A_21 : memref<8x128xf32, #tpu.memory_space<hbm>>)
        tpu.yield
      }) : () -> ()
    } else {
    }
    return
  }
}

module attributes {stable_mosaic.version = 14 : i64} {
  func.func @_pred_body(%arg0: memref<128x128xf32, #tpu.memory_space<vmem>>, %arg1: memref<128x128xf32, #tpu.memory_space<vmem>>, %arg2: memref<128x128xf32, #tpu.memory_space<vmem>>) attributes {dimension_semantics = [], scalar_prefetch = 0 : i64, scratch_operands = 0 : i64, tpu.core_type = #tpu.core_type<tc>} {
    %get3A = arith.constant 0 : index
    %get3A_0 = arith.constant 0 : index
    %get3A_1 = vector.load %arg0[%get3A, %get3A_0] : memref<128x128xf32, #tpu.memory_space<vmem>>, vector<128x128xf32>
    %slice3A = vector.extract_strided_slice %get3A_1 {offsets = [0, 0], sizes = [128, 64], strides = [1, 1]} : vector<128x128xf32> to vector<128x64xf32>
    %slice3A_2 = vector.extract_strided_slice %get3A_1 {offsets = [0, 64], sizes = [128, 64], strides = [1, 1]} : vector<128x128xf32> to vector<128x64xf32>
    %mul3A = arith.mulf %slice3A, %slice3A : vector<128x64xf32>
    %mul3A_3 = arith.mulf %slice3A_2, %slice3A_2 : vector<128x64xf32>
    %add3A = arith.addf %mul3A, %mul3A_3 : vector<128x64xf32>
    %sqrt3A = math.sqrt %add3A : vector<128x64xf32>
    %add3A_4 = arith.constant 9.99999993E-9 : f32
    %add3A_5 = vector.broadcast %add3A_4 : f32 to vector<128x64xf32>
    %add3A_6 = arith.addf %sqrt3A, %add3A_5 : vector<128x64xf32>
    %div3A = arith.divf %slice3A, %add3A_6 : vector<128x64xf32>
    %div3A_7 = arith.divf %slice3A_2, %add3A_6 : vector<128x64xf32>
    %get3A_8 = arith.constant 0 : index
    %get3A_9 = arith.constant 0 : index
    %get3A_10 = vector.load %arg1[%get3A_8, %get3A_9] : memref<128x128xf32, #tpu.memory_space<vmem>>, vector<128x128xf32>
    %slice3A_11 = vector.extract_strided_slice %get3A_10 {offsets = [0, 0], sizes = [128, 64], strides = [1, 1]} : vector<128x128xf32> to vector<128x64xf32>
    %div3A_12 = arith.constant 20.3718319 : f32
    %div3A_13 = vector.broadcast %div3A_12 : f32 to vector<128x64xf32>
    %div3A_14 = arith.divf %slice3A_11, %div3A_13 : vector<128x64xf32>
    %cos3A = math.cos %div3A_14 : vector<128x64xf32>
    %sin3A = math.sin %div3A_14 : vector<128x64xf32>
    %mul3A_15 = arith.mulf %div3A, %cos3A : vector<128x64xf32>
    %mul3A_16 = arith.mulf %div3A_7, %sin3A : vector<128x64xf32>
    %sub3A = arith.subf %mul3A_15, %mul3A_16 : vector<128x64xf32>
    %mul3A_17 = arith.mulf %div3A, %sin3A : vector<128x64xf32>
    %mul3A_18 = arith.mulf %div3A_7, %cos3A : vector<128x64xf32>
    %add3A_19 = arith.addf %mul3A_17, %mul3A_18 : vector<128x64xf32>
    %concatenate3A = tpu.concatenate %sub3A, %add3A_19 in 1 : vector<128x64xf32>, vector<128x64xf32> -> vector<128x128xf32>
    %swap3A = arith.constant 0 : index
    %swap3A_20 = arith.constant 0 : index
    %swap3A_21 = vector.load %arg2[%swap3A, %swap3A_20] : memref<128x128xf32, #tpu.memory_space<vmem>>, vector<128x128xf32>
    tpu.vector_store %arg2[%swap3A, %swap3A_20], %concatenate3A {strides = array<i32>} : memref<128x128xf32, #tpu.memory_space<vmem>>, vector<128x128xf32>,
    return
  }
}

module attributes {stable_mosaic.version = 14 : i64} {
  func.func @_score_body(%arg0: i32, %arg1: memref<3584x128xf32, #tpu.memory_space<vmem>>, %arg2: memref<128x128xf32, #tpu.memory_space<vmem>>, %arg3: memref<128x3584xf32, #tpu.memory_space<vmem>>) attributes {dimension_semantics = [#tpu.dimension_semantics<arbitrary>], iteration_bounds = array<i64: 28>, scalar_prefetch = 0 : i64, scratch_operands = 0 : i64, tpu.core_type = #tpu.core_type<tc>, window_params = [{transform_indices = @transform_0, window_bounds = array<i64: 3584, 128>}, {pipeline_mode = #tpu.pipeline_mode<synchronous>, transform_indices = @transform_1, window_bounds = array<i64: 128, 128>}, {transform_indices = @transform_2, window_bounds = array<i64: 128, 3584>}]} {
    %get3A = arith.constant 0 : index
    %get3A_0 = arith.constant 0 : index
    %get3A_1 = vector.load %arg1[%get3A, %get3A_0] : memref<3584x128xf32, #tpu.memory_space<vmem>>, vector<3584x128xf32>
    %transpose3A = tpu.transpose %get3A_1, [1, 0] : vector<3584x128xf32> -> vector<128x3584xf32>
    %slice3A = vector.extract_strided_slice %transpose3A {offsets = [0, 0], sizes = [64, 3584], strides = [1, 1]} : vector<128x3584xf32> to vector<64x3584xf32>
    %slice3A_2 = vector.extract_strided_slice %transpose3A {offsets = [64, 0], sizes = [64, 3584], strides = [1, 1]} : vector<128x3584xf32> to vector<64x3584xf32>
    %mul3A = arith.mulf %slice3A, %slice3A : vector<64x3584xf32>
    %mul3A_3 = arith.mulf %slice3A_2, %slice3A_2 : vector<64x3584xf32>
    %add3A = arith.addf %mul3A, %mul3A_3 : vector<64x3584xf32>
    %sqrt3A = math.sqrt %add3A : vector<64x3584xf32>
    %add3A_4 = arith.constant 9.99999993E-9 : f32
    %add3A_5 = vector.broadcast %add3A_4 : f32 to vector<64x3584xf32>
    %add3A_6 = arith.addf %sqrt3A, %add3A_5 : vector<64x3584xf32>
    %div3A = arith.constant 1.000000e+00 : f32
    %div3A_7 = vector.broadcast %div3A : f32 to vector<64x3584xf32>
    %div3A_8 = arith.divf %div3A_7, %add3A_6 : vector<64x3584xf32>
    %mul3A_9 = arith.mulf %slice3A, %div3A_8 : vector<64x3584xf32>
    %mul3A_10 = arith.mulf %slice3A_2, %div3A_8 : vector<64x3584xf32>
    %concatenate3A = tpu.concatenate %mul3A_9, %mul3A_10 in 0 : vector<64x3584xf32>, vector<64x3584xf32> -> vector<128x3584xf32>
    %get3A_11 = arith.constant 0 : index
    %get3A_12 = arith.constant 0 : index
    %get3A_13 = vector.load %arg2[%get3A_11, %get3A_12] : memref<128x128xf32, #tpu.memory_space<vmem>>, vector<128x128xf32>
    %transpose3A_14 = tpu.transpose %get3A_13, [1, 0] : vector<128x128xf32> -> vector<128x128xf32>
    %broadcast_in_dim3A = arith.constant 1.000000e+00 : f32
    %broadcast_in_dim3A_15 = vector.broadcast %broadcast_in_dim3A : f32 to vector<1x128xf32>
    %slice3A_16 = vector.extract_strided_slice %transpose3A_14 {offsets = [0, 0], sizes = [128, 1], strides = [1, 1]} : vector<128x128xf32> to vector<128x1xf32>
    %sub3A = vector.broadcast %slice3A_16 : vector<128x1xf32> to vector<128x3584xf32>
    %sub3A_17 = arith.subf %concatenate3A, %sub3A : vector<128x3584xf32>
    %abs3A = math.absf %sub3A_17 : vector<128x3584xf32>
    %dot_general3A = arith.constant dense<0.000000e+00> : vector<1x3584xf32>
    %dot_general3A_18 = tpu.matmul %broadcast_in_dim3A_15, %abs3A, %dot_general3A {dimension_numbers = #tpu.dot_dimension_numbers<[1], [0], [0], [1], [0, 0, 1, 1], [], []>, transpose_lhs_hint = false} : vector<1x128xf32>, vector<128x3584xf32>, vector<1x3584xf32> -> vector<1x3584xf32>
    %slice3A_19 = vector.extract_strided_slice %transpose3A_14 {offsets = [0, 1], sizes = [128, 1], strides = [1, 1]} : vector<128x128xf32> to vector<128x1xf32>
    %sub3A_20 = vector.broadcast %slice3A_19 : vector<128x1xf32> to vector<128x3584xf32>
    %sub3A_21 = arith.subf %concatenate3A, %sub3A_20 : vector<128x3584xf32>
    %abs3A_22 = math.absf %sub3A_21 : vector<128x3584xf32>
    %dot_general3A_23 = arith.constant dense<0.000000e+00> : vector<1x3584xf32>
    %dot_general3A_24 = tpu.matmul %broadcast_in_dim3A_15, %abs3A_22, %dot_general3A_23 {dimension_numbers = #tpu.dot_dimension_numbers<[1], [0], [0], [1], [0, 0, 1, 1], [], []>, transpose_lhs_hint = false} : vector<1x128xf32>, vector<128x3584xf32>, vector<1x3584xf32> -> vector<1x3584xf32>
    %slice3A_25 = vector.extract_strided_slice %transpose3A_14 {offsets = [0, 2], sizes = [128, 1], strides = [1, 1]} : vector<128x128xf32> to vector<128x1xf32>
    %sub3A_26 = vector.broadcast %slice3A_25 : vector<128x1xf32> to vector<128x3584xf32>
    %sub3A_27 = arith.subf %concatenate3A, %sub3A_26 : vector<128x3584xf32>
    %abs3A_28 = math.absf %sub3A_27 : vector<128x3584xf32>
    %dot_general3A_29 = arith.constant dense<0.000000e+00> : vector<1x3584xf32>
    %dot_general3A_30 = tpu.matmul %broadcast_in_dim3A_15, %abs3A_28, %dot_general3A_29 {dimension_numbers = #tpu.dot_dimension_numbers<[1], [0], [0], [1], [0, 0, 1, 1], [], []>, transpose_lhs_hint = false} : vector<1x128xf32>, vector<128x3584xf32>, vector<1x3584xf32> -> vector<1x3584xf32>
    %slice3A_31 = vector.extract_strided_slice %transpose3A_14 {offsets = [0, 3], sizes = [128, 1], strides = [1, 1]} : vector<128x128xf32> to vector<128x1xf32>
    %sub3A_32 = vector.broadcast %slice3A_31 : vector<128x1xf32> to vector<128x3584xf32>
    %sub3A_33 = arith.subf %concatenate3A, %sub3A_32 : vector<128x3584xf32>
    %abs3A_34 = math.absf %sub3A_33 : vector<128x3584xf32>
    %dot_general3A_35 = arith.constant dense<0.000000e+00> : vector<1x3584xf32>
    %dot_general3A_36 = tpu.matmul %broadcast_in_dim3A_15, %abs3A_34, %dot_general3A_35 {dimension_numbers = #tpu.dot_dimension_numbers<[1], [0], [0], [1], [0, 0, 1, 1], [], []>, transpose_lhs_hint = false} : vector<1x128xf32>, vector<128x3584xf32>, vector<1x3584xf32> -> vector<1x3584xf32>
    %slice3A_37 = vector.extract_strided_slice %transpose3A_14 {offsets = [0, 4], sizes = [128, 1], strides = [1, 1]} : vector<128x128xf32> to vector<128x1xf32>
    %sub3A_38 = vector.broadcast %slice3A_37 : vector<128x1xf32> to vector<128x3584xf32>
    %sub3A_39 = arith.subf %concatenate3A, %sub3A_38 : vector<128x3584xf32>
    %abs3A_40 = math.absf %sub3A_39 : vector<128x3584xf32>
    %dot_general3A_41 = arith.constant dense<0.000000e+00> : vector<1x3584xf32>
    %dot_general3A_42 = tpu.matmul %broadcast_in_dim3A_15, %abs3A_40, %dot_general3A_41 {dimension_numbers = #tpu.dot_dimension_numbers<[1], [0], [0], [1], [0, 0, 1, 1], [], []>, transpose_lhs_hint = false} : vector<1x128xf32>, vector<128x3584xf32>, vector<1x3584xf32> -> vector<1x3584xf32>
    %slice3A_43 = vector.extract_strided_slice %transpose3A_14 {offsets = [0, 5], sizes = [128, 1], strides = [1, 1]} : vector<128x128xf32> to vector<128x1xf32>
    %sub3A_44 = vector.broadcast %slice3A_43 : vector<128x1xf32> to vector<128x3584xf32>
    %sub3A_45 = arith.subf %concatenate3A, %sub3A_44 : vector<128x3584xf32>
    %abs3A_46 = math.absf %sub3A_45 : vector<128x3584xf32>
    %dot_general3A_47 = arith.constant dense<0.000000e+00> : vector<1x3584xf32>
    %dot_general3A_48 = tpu.matmul %broadcast_in_dim3A_15, %abs3A_46, %dot_general3A_47 {dimension_numbers = #tpu.dot_dimension_numbers<[1], [0], [0], [1], [0, 0, 1, 1], [], []>, transpose_lhs_hint = false} : vector<1x128xf32>, vector<128x3584xf32>, vector<1x3584xf32> -> vector<1x3584xf32>
    %slice3A_49 = vector.extract_strided_slice %transpose3A_14 {offsets = [0, 6], sizes = [128, 1], strides = [1, 1]} : vector<128x128xf32> to vector<128x1xf32>
    %sub3A_50 = vector.broadcast %slice3A_49 : vector<128x1xf32> to vector<128x3584xf32>
    %sub3A_51 = arith.subf %concatenate3A, %sub3A_50 : vector<128x3584xf32>
    %abs3A_52 = math.absf %sub3A_51 : vector<128x3584xf32>
    %dot_general3A_53 = arith.constant dense<0.000000e+00> : vector<1x3584xf32>
    %dot_general3A_54 = tpu.matmul %broadcast_in_dim3A_15, %abs3A_52, %dot_general3A_53 {dimension_numbers = #tpu.dot_dimension_numbers<[1], [0], [0], [1], [0, 0, 1, 1], [], []>, transpose_lhs_hint = false} : vector<1x128xf32>, vector<128x3584xf32>, vector<1x3584xf32> -> vector<1x3584xf32>
    %slice3A_55 = vector.extract_strided_slice %transpose3A_14 {offsets = [0, 7], sizes = [128, 1], strides = [1, 1]} : vector<128x128xf32> to vector<128x1xf32>
    %sub3A_56 = vector.broadcast %slice3A_55 : vector<128x1xf32> to vector<128x3584xf32>
    %sub3A_57 = arith.subf %concatenate3A, %sub3A_56 : vector<128x3584xf32>
    %abs3A_58 = math.absf %sub3A_57 : vector<128x3584xf32>
    %dot_general3A_59 = arith.constant dense<0.000000e+00> : vector<1x3584xf32>
    %dot_general3A_60 = tpu.matmul %broadcast_in_dim3A_15, %abs3A_58, %dot_general3A_59 {dimension_numbers = #tpu.dot_dimension_numbers<[1], [0], [0], [1], [0, 0, 1, 1], [], []>, transpose_lhs_hint = false} : vector<1x128xf32>, vector<128x3584xf32>, vector<1x3584xf32> -> vector<1x3584xf32>
    %slice3A_61 = vector.extract_strided_slice %transpose3A_14 {offsets = [0, 8], sizes = [128, 1], strides = [1, 1]} : vector<128x128xf32> to vector<128x1xf32>
    %sub3A_62 = vector.broadcast %slice3A_61 : vector<128x1xf32> to vector<128x3584xf32>
    %sub3A_63 = arith.subf %concatenate3A, %sub3A_62 : vector<128x3584xf32>
    %abs3A_64 = math.absf %sub3A_63 : vector<128x3584xf32>
    %dot_general3A_65 = arith.constant dense<0.000000e+00> : vector<1x3584xf32>
    %dot_general3A_66 = tpu.matmul %broadcast_in_dim3A_15, %abs3A_64, %dot_general3A_65 {dimension_numbers = #tpu.dot_dimension_numbers<[1], [0], [0], [1], [0, 0, 1, 1], [], []>, transpose_lhs_hint = false} : vector<1x128xf32>, vector<128x3584xf32>, vector<1x3584xf32> -> vector<1x3584xf32>
    %slice3A_67 = vector.extract_strided_slice %transpose3A_14 {offsets = [0, 9], sizes = [128, 1], strides = [1, 1]} : vector<128x128xf32> to vector<128x1xf32>
    %sub3A_68 = vector.broadcast %slice3A_67 : vector<128x1xf32> to vector<128x3584xf32>
    %sub3A_69 = arith.subf %concatenate3A, %sub3A_68 : vector<128x3584xf32>
    %abs3A_70 = math.absf %sub3A_69 : vector<128x3584xf32>
    %dot_general3A_71 = arith.constant dense<0.000000e+00> : vector<1x3584xf32>
    %dot_general3A_72 = tpu.matmul %broadcast_in_dim3A_15, %abs3A_70, %dot_general3A_71 {dimension_numbers = #tpu.dot_dimension_numbers<[1], [0], [0], [1], [0, 0, 1, 1], [], []>, transpose_lhs_hint = false} : vector<1x128xf32>, vector<128x3584xf32>, vector<1x3584xf32> -> vector<1x3584xf32>
    %slice3A_73 = vector.extract_strided_slice %transpose3A_14 {offsets = [0, 10], sizes = [128, 1], strides = [1, 1]} : vector<128x128xf32> to vector<128x1xf32>
    %sub3A_74 = vector.broadcast %slice3A_73 : vector<128x1xf32> to vector<128x3584xf32>
    %sub3A_75 = arith.subf %concatenate3A, %sub3A_74 : vector<128x3584xf32>
    %abs3A_76 = math.absf %sub3A_75 : vector<128x3584xf32>
    %dot_general3A_77 = arith.constant dense<0.000000e+00> : vector<1x3584xf32>
    %dot_general3A_78 = tpu.matmul %broadcast_in_dim3A_15, %abs3A_76, %dot_general3A_77 {dimension_numbers = #tpu.dot_dimension_numbers<[1], [0], [0], [1], [0, 0, 1, 1], [], []>, transpose_lhs_hint = false} : vector<1x128xf32>, vector<128x3584xf32>, vector<1x3584xf32> -> vector<1x3584xf32>
    %slice3A_79 = vector.extract_strided_slice %transpose3A_14 {offsets = [0, 11], sizes = [128, 1], strides = [1, 1]} : vector<128x128xf32> to vector<128x1xf32>
    %sub3A_80 = vector.broadcast %slice3A_79 : vector<128x1xf32> to vector<128x3584xf32>
    %sub3A_81 = arith.subf %concatenate3A, %sub3A_80 : vector<128x3584xf32>
    %abs3A_82 = math.absf %sub3A_81 : vector<128x3584xf32>
    %dot_general3A_83 = arith.constant dense<0.000000e+00> : vector<1x3584xf32>
    %dot_general3A_84 = tpu.matmul %broadcast_in_dim3A_15, %abs3A_82, %dot_general3A_83 {dimension_numbers = #tpu.dot_dimension_numbers<[1], [0], [0], [1], [0, 0, 1, 1], [], []>, transpose_lhs_hint = false} : vector<1x128xf32>, vector<128x3584xf32>, vector<1x3584xf32> -> vector<1x3584xf32>
    %slice3A_85 = vector.extract_strided_slice %transpose3A_14 {offsets = [0, 12], sizes = [128, 1], strides = [1, 1]} : vector<128x128xf32> to vector<128x1xf32>
    %sub3A_86 = vector.broadcast %slice3A_85 : vector<128x1xf32> to vector<128x3584xf32>
    %sub3A_87 = arith.subf %concatenate3A, %sub3A_86 : vector<128x3584xf32>
    %abs3A_88 = math.absf %sub3A_87 : vector<128x3584xf32>
    %dot_general3A_89 = arith.constant dense<0.000000e+00> : vector<1x3584xf32>
    %dot_general3A_90 = tpu.matmul %broadcast_in_dim3A_15, %abs3A_88, %dot_general3A_89 {dimension_numbers = #tpu.dot_dimension_numbers<[1], [0], [0], [1], [0, 0, 1, 1], [], []>, transpose_lhs_hint = false} : vector<1x128xf32>, vector<128x3584xf32>, vector<1x3584xf32> -> vector<1x3584xf32>
    %slice3A_91 = vector.extract_strided_slice %transpose3A_14 {offsets = [0, 13], sizes = [128, 1], strides = [1, 1]} : vector<128x128xf32> to vector<128x1xf32>
    %sub3A_92 = vector.broadcast %slice3A_91 : vector<128x1xf32> to vector<128x3584xf32>
    %sub3A_93 = arith.subf %concatenate3A, %sub3A_92 : vector<128x3584xf32>
    %abs3A_94 = math.absf %sub3A_93 : vector<128x3584xf32>
    %dot_general3A_95 = arith.constant dense<0.000000e+00> : vector<1x3584xf32>
    %dot_general3A_96 = tpu.matmul %broadcast_in_dim3A_15, %abs3A_94, %dot_general3A_95 {dimension_numbers = #tpu.dot_dimension_numbers<[1], [0], [0], [1], [0, 0, 1, 1], [], []>, transpose_lhs_hint = false} : vector<1x128xf32>, vector<128x3584xf32>, vector<1x3584xf32> -> vector<1x3584xf32>
    %slice3A_97 = vector.extract_strided_slice %transpose3A_14 {offsets = [0, 14], sizes = [128, 1], strides = [1, 1]} : vector<128x128xf32> to vector<128x1xf32>
    %sub3A_98 = vector.broadcast %slice3A_97 : vector<128x1xf32> to vector<128x3584xf32>
    %sub3A_99 = arith.subf %concatenate3A, %sub3A_98 : vector<128x3584xf32>
    %abs3A_100 = math.absf %sub3A_99 : vector<128x3584xf32>
    %dot_general3A_101 = arith.constant dense<0.000000e+00> : vector<1x3584xf32>
    %dot_general3A_102 = tpu.matmul %broadcast_in_dim3A_15, %abs3A_100, %dot_general3A_101 {dimension_numbers = #tpu.dot_dimension_numbers<[1], [0], [0], [1], [0, 0, 1, 1], [], []>, transpose_lhs_hint = false} : vector<1x128xf32>, vector<128x3584xf32>, vector<1x3584xf32> -> vector<1x3584xf32>
    %slice3A_103 = vector.extract_strided_slice %transpose3A_14 {offsets = [0, 15], sizes = [128, 1], strides = [1, 1]} : vector<128x128xf32> to vector<128x1xf32>
    %sub3A_104 = vector.broadcast %slice3A_103 : vector<128x1xf32> to vector<128x3584xf32>
    %sub3A_105 = arith.subf %concatenate3A, %sub3A_104 : vector<128x3584xf32>
    %abs3A_106 = math.absf %sub3A_105 : vector<128x3584xf32>
    %dot_general3A_107 = arith.constant dense<0.000000e+00> : vector<1x3584xf32>
    %dot_general3A_108 = tpu.matmul %broadcast_in_dim3A_15, %abs3A_106, %dot_general3A_107 {dimension_numbers = #tpu.dot_dimension_numbers<[1], [0], [0], [1], [0, 0, 1, 1], [], []>, transpose_lhs_hint = false} : vector<1x128xf32>, vector<128x3584xf32>, vector<1x3584xf32> -> vector<1x3584xf32>
    %slice3A_109 = vector.extract_strided_slice %transpose3A_14 {offsets = [0, 16], sizes = [128, 1], strides = [1, 1]} : vector<128x128xf32> to vector<128x1xf32>
    %sub3A_110 = vector.broadcast %slice3A_109 : vector<128x1xf32> to vector<128x3584xf32>
    %sub3A_111 = arith.subf %concatenate3A, %sub3A_110 : vector<128x3584xf32>
    %abs3A_112 = math.absf %sub3A_111 : vector<128x3584xf32>
    %dot_general3A_113 = arith.constant dense<0.000000e+00> : vector<1x3584xf32>
    %dot_general3A_114 = tpu.matmul %broadcast_in_dim3A_15, %abs3A_112, %dot_general3A_113 {dimension_numbers = #tpu.dot_dimension_numbers<[1], [0], [0], [1], [0, 0, 1, 1], [], []>, transpose_lhs_hint = false} : vector<1x128xf32>, vector<128x3584xf32>, vector<1x3584xf32> -> vector<1x3584xf32>
    %slice3A_115 = vector.extract_strided_slice %transpose3A_14 {offsets = [0, 17], sizes = [128, 1], strides = [1, 1]} : vector<128x128xf32> to vector<128x1xf32>
    %sub3A_116 = vector.broadcast %slice3A_115 : vector<128x1xf32> to vector<128x3584xf32>
    %sub3A_117 = arith.subf %concatenate3A, %sub3A_116 : vector<128x3584xf32>
    %abs3A_118 = math.absf %sub3A_117 : vector<128x3584xf32>
    %dot_general3A_119 = arith.constant dense<0.000000e+00> : vector<1x3584xf32>
    %dot_general3A_120 = tpu.matmul %broadcast_in_dim3A_15, %abs3A_118, %dot_general3A_119 {dimension_numbers = #tpu.dot_dimension_numbers<[1], [0], [0], [1], [0, 0, 1, 1], [], []>, transpose_lhs_hint = false} : vector<1x128xf32>, vector<128x3584xf32>, vector<1x3584xf32> -> vector<1x3584xf32>
    %slice3A_121 = vector.extract_strided_slice %transpose3A_14 {offsets = [0, 18], sizes = [128, 1], strides = [1, 1]} : vector<128x128xf32> to vector<128x1xf32>
    %sub3A_122 = vector.broadcast %slice3A_121 : vector<128x1xf32> to vector<128x3584xf32>
    %sub3A_123 = arith.subf %concatenate3A, %sub3A_122 : vector<128x3584xf32>
    %abs3A_124 = math.absf %sub3A_123 : vector<128x3584xf32>
    %dot_general3A_125 = arith.constant dense<0.000000e+00> : vector<1x3584xf32>
    %dot_general3A_126 = tpu.matmul %broadcast_in_dim3A_15, %abs3A_124, %dot_general3A_125 {dimension_numbers = #tpu.dot_dimension_numbers<[1], [0], [0], [1], [0, 0, 1, 1], [], []>, transpose_lhs_hint = false} : vector<1x128xf32>, vector<128x3584xf32>, vector<1x3584xf32> -> vector<1x3584xf32>
    %slice3A_127 = vector.extract_strided_slice %transpose3A_14 {offsets = [0, 19], sizes = [128, 1], strides = [1, 1]} : vector<128x128xf32> to vector<128x1xf32>
    %sub3A_128 = vector.broadcast %slice3A_127 : vector<128x1xf32> to vector<128x3584xf32>
    %sub3A_129 = arith.subf %concatenate3A, %sub3A_128 : vector<128x3584xf32>
    %abs3A_130 = math.absf %sub3A_129 : vector<128x3584xf32>
    %dot_general3A_131 = arith.constant dense<0.000000e+00> : vector<1x3584xf32>
    %dot_general3A_132 = tpu.matmul %broadcast_in_dim3A_15, %abs3A_130, %dot_general3A_131 {dimension_numbers = #tpu.dot_dimension_numbers<[1], [0], [0], [1], [0, 0, 1, 1], [], []>, transpose_lhs_hint = false} : vector<1x128xf32>, vector<128x3584xf32>, vector<1x3584xf32> -> vector<1x3584xf32>
    %slice3A_133 = vector.extract_strided_slice %transpose3A_14 {offsets = [0, 20], sizes = [128, 1], strides = [1, 1]} : vector<128x128xf32> to vector<128x1xf32>
    %sub3A_134 = vector.broadcast %slice3A_133 : vector<128x1xf32> to vector<128x3584xf32>
    %sub3A_135 = arith.subf %concatenate3A, %sub3A_134 : vector<128x3584xf32>
    %abs3A_136 = math.absf %sub3A_135 : vector<128x3584xf32>
    %dot_general3A_137 = arith.constant dense<0.000000e+00> : vector<1x3584xf32>
    %dot_general3A_138 = tpu.matmul %broadcast_in_dim3A_15, %abs3A_136, %dot_general3A_137 {dimension_numbers = #tpu.dot_dimension_numbers<[1], [0], [0], [1], [0, 0, 1, 1], [], []>, transpose_lhs_hint = false} : vector<1x128xf32>, vector<128x3584xf32>, vector<1x3584xf32> -> vector<1x3584xf32>
    %slice3A_139 = vector.extract_strided_slice %transpose3A_14 {offsets = [0, 21], sizes = [128, 1], strides = [1, 1]} : vector<128x128xf32> to vector<128x1xf32>
    %sub3A_140 = vector.broadcast %slice3A_139 : vector<128x1xf32> to vector<128x3584xf32>
    %sub3A_141 = arith.subf %concatenate3A, %sub3A_140 : vector<128x3584xf32>
    %abs3A_142 = math.absf %sub3A_141 : vector<128x3584xf32>
    %dot_general3A_143 = arith.constant dense<0.000000e+00> : vector<1x3584xf32>
    %dot_general3A_144 = tpu.matmul %broadcast_in_dim3A_15, %abs3A_142, %dot_general3A_143 {dimension_numbers = #tpu.dot_dimension_numbers<[1], [0], [0], [1], [0, 0, 1, 1], [], []>, transpose_lhs_hint = false} : vector<1x128xf32>, vector<128x3584xf32>, vector<1x3584xf32> -> vector<1x3584xf32>
    %slice3A_145 = vector.extract_strided_slice %transpose3A_14 {offsets = [0, 22], sizes = [128, 1], strides = [1, 1]} : vector<128x128xf32> to vector<128x1xf32>
    %sub3A_146 = vector.broadcast %slice3A_145 : vector<128x1xf32> to vector<128x3584xf32>
    %sub3A_147 = arith.subf %concatenate3A, %sub3A_146 : vector<128x3584xf32>
    %abs3A_148 = math.absf %sub3A_147 : vector<128x3584xf32>
    %dot_general3A_149 = arith.constant dense<0.000000e+00> : vector<1x3584xf32>
    %dot_general3A_150 = tpu.matmul %broadcast_in_dim3A_15, %abs3A_148, %dot_general3A_149 {dimension_numbers = #tpu.dot_dimension_numbers<[1], [0], [0], [1], [0, 0, 1, 1], [], []>, transpose_lhs_hint = false} : vector<1x128xf32>, vector<128x3584xf32>, vector<1x3584xf32> -> vector<1x3584xf32>
    %slice3A_151 = vector.extract_strided_slice %transpose3A_14 {offsets = [0, 23], sizes = [128, 1], strides = [1, 1]} : vector<128x128xf32> to vector<128x1xf32>
    %sub3A_152 = vector.broadcast %slice3A_151 : vector<128x1xf32> to vector<128x3584xf32>
    %sub3A_153 = arith.subf %concatenate3A, %sub3A_152 : vector<128x3584xf32>
    %abs3A_154 = math.absf %sub3A_153 : vector<128x3584xf32>
    %dot_general3A_155 = arith.constant dense<0.000000e+00> : vector<1x3584xf32>
    %dot_general3A_156 = tpu.matmul %broadcast_in_dim3A_15, %abs3A_154, %dot_general3A_155 {dimension_numbers = #tpu.dot_dimension_numbers<[1], [0], [0], [1], [0, 0, 1, 1], [], []>, transpose_lhs_hint = false} : vector<1x128xf32>, vector<128x3584xf32>, vector<1x3584xf32> -> vector<1x3584xf32>
    %slice3A_157 = vector.extract_strided_slice %transpose3A_14 {offsets = [0, 24], sizes = [128, 1], strides = [1, 1]} : vector<128x128xf32> to vector<128x1xf32>
    %sub3A_158 = vector.broadcast %slice3A_157 : vector<128x1xf32> to vector<128x3584xf32>
    %sub3A_159 = arith.subf %concatenate3A, %sub3A_158 : vector<128x3584xf32>
    %abs3A_160 = math.absf %sub3A_159 : vector<128x3584xf32>
    %dot_general3A_161 = arith.constant dense<0.000000e+00> : vector<1x3584xf32>
    %dot_general3A_162 = tpu.matmul %broadcast_in_dim3A_15, %abs3A_160, %dot_general3A_161 {dimension_numbers = #tpu.dot_dimension_numbers<[1], [0], [0], [1], [0, 0, 1, 1], [], []>, transpose_lhs_hint = false} : vector<1x128xf32>, vector<128x3584xf32>, vector<1x3584xf32> -> vector<1x3584xf32>
    %slice3A_163 = vector.extract_strided_slice %transpose3A_14 {offsets = [0, 25], sizes = [128, 1], strides = [1, 1]} : vector<128x128xf32> to vector<128x1xf32>
    %sub3A_164 = vector.broadcast %slice3A_163 : vector<128x1xf32> to vector<128x3584xf32>
    %sub3A_165 = arith.subf %concatenate3A, %sub3A_164 : vector<128x3584xf32>
    %abs3A_166 = math.absf %sub3A_165 : vector<128x3584xf32>
    %dot_general3A_167 = arith.constant dense<0.000000e+00> : vector<1x3584xf32>
    %dot_general3A_168 = tpu.matmul %broadcast_in_dim3A_15, %abs3A_166, %dot_general3A_167 {dimension_numbers = #tpu.dot_dimension_numbers<[1], [0], [0], [1], [0, 0, 1, 1], [], []>, transpose_lhs_hint = false} : vector<1x128xf32>, vector<128x3584xf32>, vector<1x3584xf32> -> vector<1x3584xf32>
    %slice3A_169 = vector.extract_strided_slice %transpose3A_14 {offsets = [0, 26], sizes = [128, 1], strides = [1, 1]} : vector<128x128xf32> to vector<128x1xf32>
    %sub3A_170 = vector.broadcast %slice3A_169 : vector<128x1xf32> to vector<128x3584xf32>
    %sub3A_171 = arith.subf %concatenate3A, %sub3A_170 : vector<128x3584xf32>
    %abs3A_172 = math.absf %sub3A_171 : vector<128x3584xf32>
    %dot_general3A_173 = arith.constant dense<0.000000e+00> : vector<1x3584xf32>
    %dot_general3A_174 = tpu.matmul %broadcast_in_dim3A_15, %abs3A_172, %dot_general3A_173 {dimension_numbers = #tpu.dot_dimension_numbers<[1], [0], [0], [1], [0, 0, 1, 1], [], []>, transpose_lhs_hint = false} : vector<1x128xf32>, vector<128x3584xf32>, vector<1x3584xf32> -> vector<1x3584xf32>
    %slice3A_175 = vector.extract_strided_slice %transpose3A_14 {offsets = [0, 27], sizes = [128, 1], strides = [1, 1]} : vector<128x128xf32> to vector<128x1xf32>
    %sub3A_176 = vector.broadcast %slice3A_175 : vector<128x1xf32> to vector<128x3584xf32>
    %sub3A_177 = arith.subf %concatenate3A, %sub3A_176 : vector<128x3584xf32>
    %abs3A_178 = math.absf %sub3A_177 : vector<128x3584xf32>
    %dot_general3A_179 = arith.constant dense<0.000000e+00> : vector<1x3584xf32>
    %dot_general3A_180 = tpu.matmul %broadcast_in_dim3A_15, %abs3A_178, %dot_general3A_179 {dimension_numbers = #tpu.dot_dimension_numbers<[1], [0], [0], [1], [0, 0, 1, 1], [], []>, transpose_lhs_hint = false} : vector<1x128xf32>, vector<128x3584xf32>, vector<1x3584xf32> -> vector<1x3584xf32>
    %slice3A_181 = vector.extract_strided_slice %transpose3A_14 {offsets = [0, 28], sizes = [128, 1], strides = [1, 1]} : vector<128x128xf32> to vector<128x1xf32>
    %sub3A_182 = vector.broadcast %slice3A_181 : vector<128x1xf32> to vector<128x3584xf32>
    %sub3A_183 = arith.subf %concatenate3A, %sub3A_182 : vector<128x3584xf32>
    %abs3A_184 = math.absf %sub3A_183 : vector<128x3584xf32>
    %dot_general3A_185 = arith.constant dense<0.000000e+00> : vector<1x3584xf32>
    %dot_general3A_186 = tpu.matmul %broadcast_in_dim3A_15, %abs3A_184, %dot_general3A_185 {dimension_numbers = #tpu.dot_dimension_numbers<[1], [0], [0], [1], [0, 0, 1, 1], [], []>, transpose_lhs_hint = false} : vector<1x128xf32>, vector<128x3584xf32>, vector<1x3584xf32> -> vector<1x3584xf32>
    %slice3A_187 = vector.extract_strided_slice %transpose3A_14 {offsets = [0, 29], sizes = [128, 1], strides = [1, 1]} : vector<128x128xf32> to vector<128x1xf32>
    %sub3A_188 = vector.broadcast %slice3A_187 : vector<128x1xf32> to vector<128x3584xf32>
    %sub3A_189 = arith.subf %concatenate3A, %sub3A_188 : vector<128x3584xf32>
    %abs3A_190 = math.absf %sub3A_189 : vector<128x3584xf32>
    %dot_general3A_191 = arith.constant dense<0.000000e+00> : vector<1x3584xf32>
    %dot_general3A_192 = tpu.matmul %broadcast_in_dim3A_15, %abs3A_190, %dot_general3A_191 {dimension_numbers = #tpu.dot_dimension_numbers<[1], [0], [0], [1], [0, 0, 1, 1], [], []>, transpose_lhs_hint = false} : vector<1x128xf32>, vector<128x3584xf32>, vector<1x3584xf32> -> vector<1x3584xf32>
    %slice3A_193 = vector.extract_strided_slice %transpose3A_14 {offsets = [0, 30], sizes = [128, 1], strides = [1, 1]} : vector<128x128xf32> to vector<128x1xf32>
    %sub3A_194 = vector.broadcast %slice3A_193 : vector<128x1xf32> to vector<128x3584xf32>
    %sub3A_195 = arith.subf %concatenate3A, %sub3A_194 : vector<128x3584xf32>
    %abs3A_196 = math.absf %sub3A_195 : vector<128x3584xf32>
    %dot_general3A_197 = arith.constant dense<0.000000e+00> : vector<1x3584xf32>
    %dot_general3A_198 = tpu.matmul %broadcast_in_dim3A_15, %abs3A_196, %dot_general3A_197 {dimension_numbers = #tpu.dot_dimension_numbers<[1], [0], [0], [1], [0, 0, 1, 1], [], []>, transpose_lhs_hint = false} : vector<1x128xf32>, vector<128x3584xf32>, vector<1x3584xf32> -> vector<1x3584xf32>
    %slice3A_199 = vector.extract_strided_slice %transpose3A_14 {offsets = [0, 31], sizes = [128, 1], strides = [1, 1]} : vector<128x128xf32> to vector<128x1xf32>
    %sub3A_200 = vector.broadcast %slice3A_199 : vector<128x1xf32> to vector<128x3584xf32>
    %sub3A_201 = arith.subf %concatenate3A, %sub3A_200 : vector<128x3584xf32>
    %abs3A_202 = math.absf %sub3A_201 : vector<128x3584xf32>
    %dot_general3A_203 = arith.constant dense<0.000000e+00> : vector<1x3584xf32>
    %dot_general3A_204 = tpu.matmul %broadcast_in_dim3A_15, %abs3A_202, %dot_general3A_203 {dimension_numbers = #tpu.dot_dimension_numbers<[1], [0], [0], [1], [0, 0, 1, 1], [], []>, transpose_lhs_hint = false} : vector<1x128xf32>, vector<128x3584xf32>, vector<1x3584xf32> -> vector<1x3584xf32>
    %slice3A_205 = vector.extract_strided_slice %transpose3A_14 {offsets = [0, 32], sizes = [128, 1], strides = [1, 1]} : vector<128x128xf32> to vector<128x1xf32>
    %sub3A_206 = vector.broadcast %slice3A_205 : vector<128x1xf32> to vector<128x3584xf32>
    %sub3A_207 = arith.subf %concatenate3A, %sub3A_206 : vector<128x3584xf32>
    %abs3A_208 = math.absf %sub3A_207 : vector<128x3584xf32>
    %dot_general3A_209 = arith.constant dense<0.000000e+00> : vector<1x3584xf32>
    %dot_general3A_210 = tpu.matmul %broadcast_in_dim3A_15, %abs3A_208, %dot_general3A_209 {dimension_numbers = #tpu.dot_dimension_numbers<[1], [0], [0], [1], [0, 0, 1, 1], [], []>, transpose_lhs_hint = false} : vector<1x128xf32>, vector<128x3584xf32>, vector<1x3584xf32> -> vector<1x3584xf32>
    %slice3A_211 = vector.extract_strided_slice %transpose3A_14 {offsets = [0, 33], sizes = [128, 1], strides = [1, 1]} : vector<128x128xf32> to vector<128x1xf32>
    %sub3A_212 = vector.broadcast %slice3A_211 : vector<128x1xf32> to vector<128x3584xf32>
    %sub3A_213 = arith.subf %concatenate3A, %sub3A_212 : vector<128x3584xf32>
    %abs3A_214 = math.absf %sub3A_213 : vector<128x3584xf32>
    %dot_general3A_215 = arith.constant dense<0.000000e+00> : vector<1x3584xf32>
    %dot_general3A_216 = tpu.matmul %broadcast_in_dim3A_15, %abs3A_214, %dot_general3A_215 {dimension_numbers = #tpu.dot_dimension_numbers<[1], [0], [0], [1], [0, 0, 1, 1], [], []>, transpose_lhs_hint = false} : vector<1x128xf32>, vector<128x3584xf32>, vector<1x3584xf32> -> vector<1x3584xf32>
    %slice3A_217 = vector.extract_strided_slice %transpose3A_14 {offsets = [0, 34], sizes = [128, 1], strides = [1, 1]} : vector<128x128xf32> to vector<128x1xf32>
    %sub3A_218 = vector.broadcast %slice3A_217 : vector<128x1xf32> to vector<128x3584xf32>
    %sub3A_219 = arith.subf %concatenate3A, %sub3A_218 : vector<128x3584xf32>
    %abs3A_220 = math.absf %sub3A_219 : vector<128x3584xf32>
    %dot_general3A_221 = arith.constant dense<0.000000e+00> : vector<1x3584xf32>
    %dot_general3A_222 = tpu.matmul %broadcast_in_dim3A_15, %abs3A_220, %dot_general3A_221 {dimension_numbers = #tpu.dot_dimension_numbers<[1], [0], [0], [1], [0, 0, 1, 1], [], []>, transpose_lhs_hint = false} : vector<1x128xf32>, vector<128x3584xf32>, vector<1x3584xf32> -> vector<1x3584xf32>
    %slice3A_223 = vector.extract_strided_slice %transpose3A_14 {offsets = [0, 35], sizes = [128, 1], strides = [1, 1]} : vector<128x128xf32> to vector<128x1xf32>
    %sub3A_224 = vector.broadcast %slice3A_223 : vector<128x1xf32> to vector<128x3584xf32>
    %sub3A_225 = arith.subf %concatenate3A, %sub3A_224 : vector<128x3584xf32>
    %abs3A_226 = math.absf %sub3A_225 : vector<128x3584xf32>
    %dot_general3A_227 = arith.constant dense<0.000000e+00> : vector<1x3584xf32>
    %dot_general3A_228 = tpu.matmul %broadcast_in_dim3A_15, %abs3A_226, %dot_general3A_227 {dimension_numbers = #tpu.dot_dimension_numbers<[1], [0], [0], [1], [0, 0, 1, 1], [], []>, transpose_lhs_hint = false} : vector<1x128xf32>, vector<128x3584xf32>, vector<1x3584xf32> -> vector<1x3584xf32>
    %slice3A_229 = vector.extract_strided_slice %transpose3A_14 {offsets = [0, 36], sizes = [128, 1], strides = [1, 1]} : vector<128x128xf32> to vector<128x1xf32>
    %sub3A_230 = vector.broadcast %slice3A_229 : vector<128x1xf32> to vector<128x3584xf32>
    %sub3A_231 = arith.subf %concatenate3A, %sub3A_230 : vector<128x3584xf32>
    %abs3A_232 = math.absf %sub3A_231 : vector<128x3584xf32>
    %dot_general3A_233 = arith.constant dense<0.000000e+00> : vector<1x3584xf32>
    %dot_general3A_234 = tpu.matmul %broadcast_in_dim3A_15, %abs3A_232, %dot_general3A_233 {dimension_numbers = #tpu.dot_dimension_numbers<[1], [0], [0], [1], [0, 0, 1, 1], [], []>, transpose_lhs_hint = false} : vector<1x128xf32>, vector<128x3584xf32>, vector<1x3584xf32> -> vector<1x3584xf32>
    %slice3A_235 = vector.extract_strided_slice %transpose3A_14 {offsets = [0, 37], sizes = [128, 1], strides = [1, 1]} : vector<128x128xf32> to vector<128x1xf32>
    %sub3A_236 = vector.broadcast %slice3A_235 : vector<128x1xf32> to vector<128x3584xf32>
    %sub3A_237 = arith.subf %concatenate3A, %sub3A_236 : vector<128x3584xf32>
    %abs3A_238 = math.absf %sub3A_237 : vector<128x3584xf32>
    %dot_general3A_239 = arith.constant dense<0.000000e+00> : vector<1x3584xf32>
    %dot_general3A_240 = tpu.matmul %broadcast_in_dim3A_15, %abs3A_238, %dot_general3A_239 {dimension_numbers = #tpu.dot_dimension_numbers<[1], [0], [0], [1], [0, 0, 1, 1], [], []>, transpose_lhs_hint = false} : vector<1x128xf32>, vector<128x3584xf32>, vector<1x3584xf32> -> vector<1x3584xf32>
    %slice3A_241 = vector.extract_strided_slice %transpose3A_14 {offsets = [0, 38], sizes = [128, 1], strides = [1, 1]} : vector<128x128xf32> to vector<128x1xf32>
    %sub3A_242 = vector.broadcast %slice3A_241 : vector<128x1xf32> to vector<128x3584xf32>
    %sub3A_243 = arith.subf %concatenate3A, %sub3A_242 : vector<128x3584xf32>
    %abs3A_244 = math.absf %sub3A_243 : vector<128x3584xf32>
    %dot_general3A_245 = arith.constant dense<0.000000e+00> : vector<1x3584xf32>
    %dot_general3A_246 = tpu.matmul %broadcast_in_dim3A_15, %abs3A_244, %dot_general3A_245 {dimension_numbers = #tpu.dot_dimension_numbers<[1], [0], [0], [1], [0, 0, 1, 1], [], []>, transpose_lhs_hint = false} : vector<1x128xf32>, vector<128x3584xf32>, vector<1x3584xf32> -> vector<1x3584xf32>
    %slice3A_247 = vector.extract_strided_slice %transpose3A_14 {offsets = [0, 39], sizes = [128, 1], strides = [1, 1]} : vector<128x128xf32> to vector<128x1xf32>
    %sub3A_248 = vector.broadcast %slice3A_247 : vector<128x1xf32> to vector<128x3584xf32>
    %sub3A_249 = arith.subf %concatenate3A, %sub3A_248 : vector<128x3584xf32>
    %abs3A_250 = math.absf %sub3A_249 : vector<128x3584xf32>
    %dot_general3A_251 = arith.constant dense<0.000000e+00> : vector<1x3584xf32>
    %dot_general3A_252 = tpu.matmul %broadcast_in_dim3A_15, %abs3A_250, %dot_general3A_251 {dimension_numbers = #tpu.dot_dimension_numbers<[1], [0], [0], [1], [0, 0, 1, 1], [], []>, transpose_lhs_hint = false} : vector<1x128xf32>, vector<128x3584xf32>, vector<1x3584xf32> -> vector<1x3584xf32>
    %slice3A_253 = vector.extract_strided_slice %transpose3A_14 {offsets = [0, 40], sizes = [128, 1], strides = [1, 1]} : vector<128x128xf32> to vector<128x1xf32>
    %sub3A_254 = vector.broadcast %slice3A_253 : vector<128x1xf32> to vector<128x3584xf32>
    %sub3A_255 = arith.subf %concatenate3A, %sub3A_254 : vector<128x3584xf32>
    %abs3A_256 = math.absf %sub3A_255 : vector<128x3584xf32>
    %dot_general3A_257 = arith.constant dense<0.000000e+00> : vector<1x3584xf32>
    %dot_general3A_258 = tpu.matmul %broadcast_in_dim3A_15, %abs3A_256, %dot_general3A_257 {dimension_numbers = #tpu.dot_dimension_numbers<[1], [0], [0], [1], [0, 0, 1, 1], [], []>, transpose_lhs_hint = false} : vector<1x128xf32>, vector<128x3584xf32>, vector<1x3584xf32> -> vector<1x3584xf32>
    %slice3A_259 = vector.extract_strided_slice %transpose3A_14 {offsets = [0, 41], sizes = [128, 1], strides = [1, 1]} : vector<128x128xf32> to vector<128x1xf32>
    %sub3A_260 = vector.broadcast %slice3A_259 : vector<128x1xf32> to vector<128x3584xf32>
    %sub3A_261 = arith.subf %concatenate3A, %sub3A_260 : vector<128x3584xf32>
    %abs3A_262 = math.absf %sub3A_261 : vector<128x3584xf32>
    %dot_general3A_263 = arith.constant dense<0.000000e+00> : vector<1x3584xf32>
    %dot_general3A_264 = tpu.matmul %broadcast_in_dim3A_15, %abs3A_262, %dot_general3A_263 {dimension_numbers = #tpu.dot_dimension_numbers<[1], [0], [0], [1], [0, 0, 1, 1], [], []>, transpose_lhs_hint = false} : vector<1x128xf32>, vector<128x3584xf32>, vector<1x3584xf32> -> vector<1x3584xf32>
    %slice3A_265 = vector.extract_strided_slice %transpose3A_14 {offsets = [0, 42], sizes = [128, 1], strides = [1, 1]} : vector<128x128xf32> to vector<128x1xf32>
    %sub3A_266 = vector.broadcast %slice3A_265 : vector<128x1xf32> to vector<128x3584xf32>
    %sub3A_267 = arith.subf %concatenate3A, %sub3A_266 : vector<128x3584xf32>
    %abs3A_268 = math.absf %sub3A_267 : vector<128x3584xf32>
    %dot_general3A_269 = arith.constant dense<0.000000e+00> : vector<1x3584xf32>
    %dot_general3A_270 = tpu.matmul %broadcast_in_dim3A_15, %abs3A_268, %dot_general3A_269 {dimension_numbers = #tpu.dot_dimension_numbers<[1], [0], [0], [1], [0, 0, 1, 1], [], []>, transpose_lhs_hint = false} : vector<1x128xf32>, vector<128x3584xf32>, vector<1x3584xf32> -> vector<1x3584xf32>
    %slice3A_271 = vector.extract_strided_slice %transpose3A_14 {offsets = [0, 43], sizes = [128, 1], strides = [1, 1]} : vector<128x128xf32> to vector<128x1xf32>
    %sub3A_272 = vector.broadcast %slice3A_271 : vector<128x1xf32> to vector<128x3584xf32>
    %sub3A_273 = arith.subf %concatenate3A, %sub3A_272 : vector<128x3584xf32>
    %abs3A_274 = math.absf %sub3A_273 : vector<128x3584xf32>
    %dot_general3A_275 = arith.constant dense<0.000000e+00> : vector<1x3584xf32>
    %dot_general3A_276 = tpu.matmul %broadcast_in_dim3A_15, %abs3A_274, %dot_general3A_275 {dimension_numbers = #tpu.dot_dimension_numbers<[1], [0], [0], [1], [0, 0, 1, 1], [], []>, transpose_lhs_hint = false} : vector<1x128xf32>, vector<128x3584xf32>, vector<1x3584xf32> -> vector<1x3584xf32>
    %slice3A_277 = vector.extract_strided_slice %transpose3A_14 {offsets = [0, 44], sizes = [128, 1], strides = [1, 1]} : vector<128x128xf32> to vector<128x1xf32>
    %sub3A_278 = vector.broadcast %slice3A_277 : vector<128x1xf32> to vector<128x3584xf32>
    %sub3A_279 = arith.subf %concatenate3A, %sub3A_278 : vector<128x3584xf32>
    %abs3A_280 = math.absf %sub3A_279 : vector<128x3584xf32>
    %dot_general3A_281 = arith.constant dense<0.000000e+00> : vector<1x3584xf32>
    %dot_general3A_282 = tpu.matmul %broadcast_in_dim3A_15, %abs3A_280, %dot_general3A_281 {dimension_numbers = #tpu.dot_dimension_numbers<[1], [0], [0], [1], [0, 0, 1, 1], [], []>, transpose_lhs_hint = false} : vector<1x128xf32>, vector<128x3584xf32>, vector<1x3584xf32> -> vector<1x3584xf32>
    %slice3A_283 = vector.extract_strided_slice %transpose3A_14 {offsets = [0, 45], sizes = [128, 1], strides = [1, 1]} : vector<128x128xf32> to vector<128x1xf32>
    %sub3A_284 = vector.broadcast %slice3A_283 : vector<128x1xf32> to vector<128x3584xf32>
    %sub3A_285 = arith.subf %concatenate3A, %sub3A_284 : vector<128x3584xf32>
    %abs3A_286 = math.absf %sub3A_285 : vector<128x3584xf32>
    %dot_general3A_287 = arith.constant dense<0.000000e+00> : vector<1x3584xf32>
    %dot_general3A_288 = tpu.matmul %broadcast_in_dim3A_15, %abs3A_286, %dot_general3A_287 {dimension_numbers = #tpu.dot_dimension_numbers<[1], [0], [0], [1], [0, 0, 1, 1], [], []>, transpose_lhs_hint = false} : vector<1x128xf32>, vector<128x3584xf32>, vector<1x3584xf32> -> vector<1x3584xf32>
    %slice3A_289 = vector.extract_strided_slice %transpose3A_14 {offsets = [0, 46], sizes = [128, 1], strides = [1, 1]} : vector<128x128xf32> to vector<128x1xf32>
    %sub3A_290 = vector.broadcast %slice3A_289 : vector<128x1xf32> to vector<128x3584xf32>
    %sub3A_291 = arith.subf %concatenate3A, %sub3A_290 : vector<128x3584xf32>
    %abs3A_292 = math.absf %sub3A_291 : vector<128x3584xf32>
    %dot_general3A_293 = arith.constant dense<0.000000e+00> : vector<1x3584xf32>
    %dot_general3A_294 = tpu.matmul %broadcast_in_dim3A_15, %abs3A_292, %dot_general3A_293 {dimension_numbers = #tpu.dot_dimension_numbers<[1], [0], [0], [1], [0, 0, 1, 1], [], []>, transpose_lhs_hint = false} : vector<1x128xf32>, vector<128x3584xf32>, vector<1x3584xf32> -> vector<1x3584xf32>
    %slice3A_295 = vector.extract_strided_slice %transpose3A_14 {offsets = [0, 47], sizes = [128, 1], strides = [1, 1]} : vector<128x128xf32> to vector<128x1xf32>
    %sub3A_296 = vector.broadcast %slice3A_295 : vector<128x1xf32> to vector<128x3584xf32>
    %sub3A_297 = arith.subf %concatenate3A, %sub3A_296 : vector<128x3584xf32>
    %abs3A_298 = math.absf %sub3A_297 : vector<128x3584xf32>
    %dot_general3A_299 = arith.constant dense<0.000000e+00> : vector<1x3584xf32>
    %dot_general3A_300 = tpu.matmul %broadcast_in_dim3A_15, %abs3A_298, %dot_general3A_299 {dimension_numbers = #tpu.dot_dimension_numbers<[1], [0], [0], [1], [0, 0, 1, 1], [], []>, transpose_lhs_hint = false} : vector<1x128xf32>, vector<128x3584xf32>, vector<1x3584xf32> -> vector<1x3584xf32>
    %slice3A_301 = vector.extract_strided_slice %transpose3A_14 {offsets = [0, 48], sizes = [128, 1], strides = [1, 1]} : vector<128x128xf32> to vector<128x1xf32>
    %sub3A_302 = vector.broadcast %slice3A_301 : vector<128x1xf32> to vector<128x3584xf32>
    %sub3A_303 = arith.subf %concatenate3A, %sub3A_302 : vector<128x3584xf32>
    %abs3A_304 = math.absf %sub3A_303 : vector<128x3584xf32>
    %dot_general3A_305 = arith.constant dense<0.000000e+00> : vector<1x3584xf32>
    %dot_general3A_306 = tpu.matmul %broadcast_in_dim3A_15, %abs3A_304, %dot_general3A_305 {dimension_numbers = #tpu.dot_dimension_numbers<[1], [0], [0], [1], [0, 0, 1, 1], [], []>, transpose_lhs_hint = false} : vector<1x128xf32>, vector<128x3584xf32>, vector<1x3584xf32> -> vector<1x3584xf32>
    %slice3A_307 = vector.extract_strided_slice %transpose3A_14 {offsets = [0, 49], sizes = [128, 1], strides = [1, 1]} : vector<128x128xf32> to vector<128x1xf32>
    %sub3A_308 = vector.broadcast %slice3A_307 : vector<128x1xf32> to vector<128x3584xf32>
    %sub3A_309 = arith.subf %concatenate3A, %sub3A_308 : vector<128x3584xf32>
    %abs3A_310 = math.absf %sub3A_309 : vector<128x3584xf32>
    %dot_general3A_311 = arith.constant dense<0.000000e+00> : vector<1x3584xf32>
    %dot_general3A_312 = tpu.matmul %broadcast_in_dim3A_15, %abs3A_310, %dot_general3A_311 {dimension_numbers = #tpu.dot_dimension_numbers<[1], [0], [0], [1], [0, 0, 1, 1], [], []>, transpose_lhs_hint = false} : vector<1x128xf32>, vector<128x3584xf32>, vector<1x3584xf32> -> vector<1x3584xf32>
    %slice3A_313 = vector.extract_strided_slice %transpose3A_14 {offsets = [0, 50], sizes = [128, 1], strides = [1, 1]} : vector<128x128xf32> to vector<128x1xf32>
    %sub3A_314 = vector.broadcast %slice3A_313 : vector<128x1xf32> to vector<128x3584xf32>
    %sub3A_315 = arith.subf %concatenate3A, %sub3A_314 : vector<128x3584xf32>
    %abs3A_316 = math.absf %sub3A_315 : vector<128x3584xf32>
    %dot_general3A_317 = arith.constant dense<0.000000e+00> : vector<1x3584xf32>
    %dot_general3A_318 = tpu.matmul %broadcast_in_dim3A_15, %abs3A_316, %dot_general3A_317 {dimension_numbers = #tpu.dot_dimension_numbers<[1], [0], [0], [1], [0, 0, 1, 1], [], []>, transpose_lhs_hint = false} : vector<1x128xf32>, vector<128x3584xf32>, vector<1x3584xf32> -> vector<1x3584xf32>
    %slice3A_319 = vector.extract_strided_slice %transpose3A_14 {offsets = [0, 51], sizes = [128, 1], strides = [1, 1]} : vector<128x128xf32> to vector<128x1xf32>
    %sub3A_320 = vector.broadcast %slice3A_319 : vector<128x1xf32> to vector<128x3584xf32>
    %sub3A_321 = arith.subf %concatenate3A, %sub3A_320 : vector<128x3584xf32>
    %abs3A_322 = math.absf %sub3A_321 : vector<128x3584xf32>
    %dot_general3A_323 = arith.constant dense<0.000000e+00> : vector<1x3584xf32>
    %dot_general3A_324 = tpu.matmul %broadcast_in_dim3A_15, %abs3A_322, %dot_general3A_323 {dimension_numbers = #tpu.dot_dimension_numbers<[1], [0], [0], [1], [0, 0, 1, 1], [], []>, transpose_lhs_hint = false} : vector<1x128xf32>, vector<128x3584xf32>, vector<1x3584xf32> -> vector<1x3584xf32>
    %slice3A_325 = vector.extract_strided_slice %transpose3A_14 {offsets = [0, 52], sizes = [128, 1], strides = [1, 1]} : vector<128x128xf32> to vector<128x1xf32>
    %sub3A_326 = vector.broadcast %slice3A_325 : vector<128x1xf32> to vector<128x3584xf32>
    %sub3A_327 = arith.subf %concatenate3A, %sub3A_326 : vector<128x3584xf32>
    %abs3A_328 = math.absf %sub3A_327 : vector<128x3584xf32>
    %dot_general3A_329 = arith.constant dense<0.000000e+00> : vector<1x3584xf32>
    %dot_general3A_330 = tpu.matmul %broadcast_in_dim3A_15, %abs3A_328, %dot_general3A_329 {dimension_numbers = #tpu.dot_dimension_numbers<[1], [0], [0], [1], [0, 0, 1, 1], [], []>, transpose_lhs_hint = false} : vector<1x128xf32>, vector<128x3584xf32>, vector<1x3584xf32> -> vector<1x3584xf32>
    %slice3A_331 = vector.extract_strided_slice %transpose3A_14 {offsets = [0, 53], sizes = [128, 1], strides = [1, 1]} : vector<128x128xf32> to vector<128x1xf32>
    %sub3A_332 = vector.broadcast %slice3A_331 : vector<128x1xf32> to vector<128x3584xf32>
    %sub3A_333 = arith.subf %concatenate3A, %sub3A_332 : vector<128x3584xf32>
    %abs3A_334 = math.absf %sub3A_333 : vector<128x3584xf32>
    %dot_general3A_335 = arith.constant dense<0.000000e+00> : vector<1x3584xf32>
    %dot_general3A_336 = tpu.matmul %broadcast_in_dim3A_15, %abs3A_334, %dot_general3A_335 {dimension_numbers = #tpu.dot_dimension_numbers<[1], [0], [0], [1], [0, 0, 1, 1], [], []>, transpose_lhs_hint = false} : vector<1x128xf32>, vector<128x3584xf32>, vector<1x3584xf32> -> vector<1x3584xf32>
    %slice3A_337 = vector.extract_strided_slice %transpose3A_14 {offsets = [0, 54], sizes = [128, 1], strides = [1, 1]} : vector<128x128xf32> to vector<128x1xf32>
    %sub3A_338 = vector.broadcast %slice3A_337 : vector<128x1xf32> to vector<128x3584xf32>
    %sub3A_339 = arith.subf %concatenate3A, %sub3A_338 : vector<128x3584xf32>
    %abs3A_340 = math.absf %sub3A_339 : vector<128x3584xf32>
    %dot_general3A_341 = arith.constant dense<0.000000e+00> : vector<1x3584xf32>
    %dot_general3A_342 = tpu.matmul %broadcast_in_dim3A_15, %abs3A_340, %dot_general3A_341 {dimension_numbers = #tpu.dot_dimension_numbers<[1], [0], [0], [1], [0, 0, 1, 1], [], []>, transpose_lhs_hint = false} : vector<1x128xf32>, vector<128x3584xf32>, vector<1x3584xf32> -> vector<1x3584xf32>
    %slice3A_343 = vector.extract_strided_slice %transpose3A_14 {offsets = [0, 55], sizes = [128, 1], strides = [1, 1]} : vector<128x128xf32> to vector<128x1xf32>
    %sub3A_344 = vector.broadcast %slice3A_343 : vector<128x1xf32> to vector<128x3584xf32>
    %sub3A_345 = arith.subf %concatenate3A, %sub3A_344 : vector<128x3584xf32>
    %abs3A_346 = math.absf %sub3A_345 : vector<128x3584xf32>
    %dot_general3A_347 = arith.constant dense<0.000000e+00> : vector<1x3584xf32>
    %dot_general3A_348 = tpu.matmul %broadcast_in_dim3A_15, %abs3A_346, %dot_general3A_347 {dimension_numbers = #tpu.dot_dimension_numbers<[1], [0], [0], [1], [0, 0, 1, 1], [], []>, transpose_lhs_hint = false} : vector<1x128xf32>, vector<128x3584xf32>, vector<1x3584xf32> -> vector<1x3584xf32>
    %slice3A_349 = vector.extract_strided_slice %transpose3A_14 {offsets = [0, 56], sizes = [128, 1], strides = [1, 1]} : vector<128x128xf32> to vector<128x1xf32>
    %sub3A_350 = vector.broadcast %slice3A_349 : vector<128x1xf32> to vector<128x3584xf32>
    %sub3A_351 = arith.subf %concatenate3A, %sub3A_350 : vector<128x3584xf32>
    %abs3A_352 = math.absf %sub3A_351 : vector<128x3584xf32>
    %dot_general3A_353 = arith.constant dense<0.000000e+00> : vector<1x3584xf32>
    %dot_general3A_354 = tpu.matmul %broadcast_in_dim3A_15, %abs3A_352, %dot_general3A_353 {dimension_numbers = #tpu.dot_dimension_numbers<[1], [0], [0], [1], [0, 0, 1, 1], [], []>, transpose_lhs_hint = false} : vector<1x128xf32>, vector<128x3584xf32>, vector<1x3584xf32> -> vector<1x3584xf32>
    %slice3A_355 = vector.extract_strided_slice %transpose3A_14 {offsets = [0, 57], sizes = [128, 1], strides = [1, 1]} : vector<128x128xf32> to vector<128x1xf32>
    %sub3A_356 = vector.broadcast %slice3A_355 : vector<128x1xf32> to vector<128x3584xf32>
    %sub3A_357 = arith.subf %concatenate3A, %sub3A_356 : vector<128x3584xf32>
    %abs3A_358 = math.absf %sub3A_357 : vector<128x3584xf32>
    %dot_general3A_359 = arith.constant dense<0.000000e+00> : vector<1x3584xf32>
    %dot_general3A_360 = tpu.matmul %broadcast_in_dim3A_15, %abs3A_358, %dot_general3A_359 {dimension_numbers = #tpu.dot_dimension_numbers<[1], [0], [0], [1], [0, 0, 1, 1], [], []>, transpose_lhs_hint = false} : vector<1x128xf32>, vector<128x3584xf32>, vector<1x3584xf32> -> vector<1x3584xf32>
    %slice3A_361 = vector.extract_strided_slice %transpose3A_14 {offsets = [0, 58], sizes = [128, 1], strides = [1, 1]} : vector<128x128xf32> to vector<128x1xf32>
    %sub3A_362 = vector.broadcast %slice3A_361 : vector<128x1xf32> to vector<128x3584xf32>
    %sub3A_363 = arith.subf %concatenate3A, %sub3A_362 : vector<128x3584xf32>
    %abs3A_364 = math.absf %sub3A_363 : vector<128x3584xf32>
    %dot_general3A_365 = arith.constant dense<0.000000e+00> : vector<1x3584xf32>
    %dot_general3A_366 = tpu.matmul %broadcast_in_dim3A_15, %abs3A_364, %dot_general3A_365 {dimension_numbers = #tpu.dot_dimension_numbers<[1], [0], [0], [1], [0, 0, 1, 1], [], []>, transpose_lhs_hint = false} : vector<1x128xf32>, vector<128x3584xf32>, vector<1x3584xf32> -> vector<1x3584xf32>
    %slice3A_367 = vector.extract_strided_slice %transpose3A_14 {offsets = [0, 59], sizes = [128, 1], strides = [1, 1]} : vector<128x128xf32> to vector<128x1xf32>
    %sub3A_368 = vector.broadcast %slice3A_367 : vector<128x1xf32> to vector<128x3584xf32>
    %sub3A_369 = arith.subf %concatenate3A, %sub3A_368 : vector<128x3584xf32>
    %abs3A_370 = math.absf %sub3A_369 : vector<128x3584xf32>
    %dot_general3A_371 = arith.constant dense<0.000000e+00> : vector<1x3584xf32>
    %dot_general3A_372 = tpu.matmul %broadcast_in_dim3A_15, %abs3A_370, %dot_general3A_371 {dimension_numbers = #tpu.dot_dimension_numbers<[1], [0], [0], [1], [0, 0, 1, 1], [], []>, transpose_lhs_hint = false} : vector<1x128xf32>, vector<128x3584xf32>, vector<1x3584xf32> -> vector<1x3584xf32>
    %slice3A_373 = vector.extract_strided_slice %transpose3A_14 {offsets = [0, 60], sizes = [128, 1], strides = [1, 1]} : vector<128x128xf32> to vector<128x1xf32>
    %sub3A_374 = vector.broadcast %slice3A_373 : vector<128x1xf32> to vector<128x3584xf32>
    %sub3A_375 = arith.subf %concatenate3A, %sub3A_374 : vector<128x3584xf32>
    %abs3A_376 = math.absf %sub3A_375 : vector<128x3584xf32>
    %dot_general3A_377 = arith.constant dense<0.000000e+00> : vector<1x3584xf32>
    %dot_general3A_378 = tpu.matmul %broadcast_in_dim3A_15, %abs3A_376, %dot_general3A_377 {dimension_numbers = #tpu.dot_dimension_numbers<[1], [0], [0], [1], [0, 0, 1, 1], [], []>, transpose_lhs_hint = false} : vector<1x128xf32>, vector<128x3584xf32>, vector<1x3584xf32> -> vector<1x3584xf32>
    %slice3A_379 = vector.extract_strided_slice %transpose3A_14 {offsets = [0, 61], sizes = [128, 1], strides = [1, 1]} : vector<128x128xf32> to vector<128x1xf32>
    %sub3A_380 = vector.broadcast %slice3A_379 : vector<128x1xf32> to vector<128x3584xf32>
    %sub3A_381 = arith.subf %concatenate3A, %sub3A_380 : vector<128x3584xf32>
    %abs3A_382 = math.absf %sub3A_381 : vector<128x3584xf32>
    %dot_general3A_383 = arith.constant dense<0.000000e+00> : vector<1x3584xf32>
    %dot_general3A_384 = tpu.matmul %broadcast_in_dim3A_15, %abs3A_382, %dot_general3A_383 {dimension_numbers = #tpu.dot_dimension_numbers<[1], [0], [0], [1], [0, 0, 1, 1], [], []>, transpose_lhs_hint = false} : vector<1x128xf32>, vector<128x3584xf32>, vector<1x3584xf32> -> vector<1x3584xf32>
    %slice3A_385 = vector.extract_strided_slice %transpose3A_14 {offsets = [0, 62], sizes = [128, 1], strides = [1, 1]} : vector<128x128xf32> to vector<128x1xf32>
    %sub3A_386 = vector.broadcast %slice3A_385 : vector<128x1xf32> to vector<128x3584xf32>
    %sub3A_387 = arith.subf %concatenate3A, %sub3A_386 : vector<128x3584xf32>
    %abs3A_388 = math.absf %sub3A_387 : vector<128x3584xf32>
    %dot_general3A_389 = arith.constant dense<0.000000e+00> : vector<1x3584xf32>
    %dot_general3A_390 = tpu.matmul %broadcast_in_dim3A_15, %abs3A_388, %dot_general3A_389 {dimension_numbers = #tpu.dot_dimension_numbers<[1], [0], [0], [1], [0, 0, 1, 1], [], []>, transpose_lhs_hint = false} : vector<1x128xf32>, vector<128x3584xf32>, vector<1x3584xf32> -> vector<1x3584xf32>
    %slice3A_391 = vector.extract_strided_slice %transpose3A_14 {offsets = [0, 63], sizes = [128, 1], strides = [1, 1]} : vector<128x128xf32> to vector<128x1xf32>
    %sub3A_392 = vector.broadcast %slice3A_391 : vector<128x1xf32> to vector<128x3584xf32>
    %sub3A_393 = arith.subf %concatenate3A, %sub3A_392 : vector<128x3584xf32>
    %abs3A_394 = math.absf %sub3A_393 : vector<128x3584xf32>
    %dot_general3A_395 = arith.constant dense<0.000000e+00> : vector<1x3584xf32>
    %dot_general3A_396 = tpu.matmul %broadcast_in_dim3A_15, %abs3A_394, %dot_general3A_395 {dimension_numbers = #tpu.dot_dimension_numbers<[1], [0], [0], [1], [0, 0, 1, 1], [], []>, transpose_lhs_hint = false} : vector<1x128xf32>, vector<128x3584xf32>, vector<1x3584xf32> -> vector<1x3584xf32>
    %slice3A_397 = vector.extract_strided_slice %transpose3A_14 {offsets = [0, 64], sizes = [128, 1], strides = [1, 1]} : vector<128x128xf32> to vector<128x1xf32>
    %sub3A_398 = vector.broadcast %slice3A_397 : vector<128x1xf32> to vector<128x3584xf32>
    %sub3A_399 = arith.subf %concatenate3A, %sub3A_398 : vector<128x3584xf32>
    %abs3A_400 = math.absf %sub3A_399 : vector<128x3584xf32>
    %dot_general3A_401 = arith.constant dense<0.000000e+00> : vector<1x3584xf32>
    %dot_general3A_402 = tpu.matmul %broadcast_in_dim3A_15, %abs3A_400, %dot_general3A_401 {dimension_numbers = #tpu.dot_dimension_numbers<[1], [0], [0], [1], [0, 0, 1, 1], [], []>, transpose_lhs_hint = false} : vector<1x128xf32>, vector<128x3584xf32>, vector<1x3584xf32> -> vector<1x3584xf32>
    %slice3A_403 = vector.extract_strided_slice %transpose3A_14 {offsets = [0, 65], sizes = [128, 1], strides = [1, 1]} : vector<128x128xf32> to vector<128x1xf32>
    %sub3A_404 = vector.broadcast %slice3A_403 : vector<128x1xf32> to vector<128x3584xf32>
    %sub3A_405 = arith.subf %concatenate3A, %sub3A_404 : vector<128x3584xf32>
    %abs3A_406 = math.absf %sub3A_405 : vector<128x3584xf32>
    %dot_general3A_407 = arith.constant dense<0.000000e+00> : vector<1x3584xf32>
    %dot_general3A_408 = tpu.matmul %broadcast_in_dim3A_15, %abs3A_406, %dot_general3A_407 {dimension_numbers = #tpu.dot_dimension_numbers<[1], [0], [0], [1], [0, 0, 1, 1], [], []>, transpose_lhs_hint = false} : vector<1x128xf32>, vector<128x3584xf32>, vector<1x3584xf32> -> vector<1x3584xf32>
    %slice3A_409 = vector.extract_strided_slice %transpose3A_14 {offsets = [0, 66], sizes = [128, 1], strides = [1, 1]} : vector<128x128xf32> to vector<128x1xf32>
    %sub3A_410 = vector.broadcast %slice3A_409 : vector<128x1xf32> to vector<128x3584xf32>
    %sub3A_411 = arith.subf %concatenate3A, %sub3A_410 : vector<128x3584xf32>
    %abs3A_412 = math.absf %sub3A_411 : vector<128x3584xf32>
    %dot_general3A_413 = arith.constant dense<0.000000e+00> : vector<1x3584xf32>
    %dot_general3A_414 = tpu.matmul %broadcast_in_dim3A_15, %abs3A_412, %dot_general3A_413 {dimension_numbers = #tpu.dot_dimension_numbers<[1], [0], [0], [1], [0, 0, 1, 1], [], []>, transpose_lhs_hint = false} : vector<1x128xf32>, vector<128x3584xf32>, vector<1x3584xf32> -> vector<1x3584xf32>
    %slice3A_415 = vector.extract_strided_slice %transpose3A_14 {offsets = [0, 67], sizes = [128, 1], strides = [1, 1]} : vector<128x128xf32> to vector<128x1xf32>
    %sub3A_416 = vector.broadcast %slice3A_415 : vector<128x1xf32> to vector<128x3584xf32>
    %sub3A_417 = arith.subf %concatenate3A, %sub3A_416 : vector<128x3584xf32>
    %abs3A_418 = math.absf %sub3A_417 : vector<128x3584xf32>
    %dot_general3A_419 = arith.constant dense<0.000000e+00> : vector<1x3584xf32>
    %dot_general3A_420 = tpu.matmul %broadcast_in_dim3A_15, %abs3A_418, %dot_general3A_419 {dimension_numbers = #tpu.dot_dimension_numbers<[1], [0], [0], [1], [0, 0, 1, 1], [], []>, transpose_lhs_hint = false} : vector<1x128xf32>, vector<128x3584xf32>, vector<1x3584xf32> -> vector<1x3584xf32>
    %slice3A_421 = vector.extract_strided_slice %transpose3A_14 {offsets = [0, 68], sizes = [128, 1], strides = [1, 1]} : vector<128x128xf32> to vector<128x1xf32>
    %sub3A_422 = vector.broadcast %slice3A_421 : vector<128x1xf32> to vector<128x3584xf32>
    %sub3A_423 = arith.subf %concatenate3A, %sub3A_422 : vector<128x3584xf32>
    %abs3A_424 = math.absf %sub3A_423 : vector<128x3584xf32>
    %dot_general3A_425 = arith.constant dense<0.000000e+00> : vector<1x3584xf32>
    %dot_general3A_426 = tpu.matmul %broadcast_in_dim3A_15, %abs3A_424, %dot_general3A_425 {dimension_numbers = #tpu.dot_dimension_numbers<[1], [0], [0], [1], [0, 0, 1, 1], [], []>, transpose_lhs_hint = false} : vector<1x128xf32>, vector<128x3584xf32>, vector<1x3584xf32> -> vector<1x3584xf32>
    %slice3A_427 = vector.extract_strided_slice %transpose3A_14 {offsets = [0, 69], sizes = [128, 1], strides = [1, 1]} : vector<128x128xf32> to vector<128x1xf32>
    %sub3A_428 = vector.broadcast %slice3A_427 : vector<128x1xf32> to vector<128x3584xf32>
    %sub3A_429 = arith.subf %concatenate3A, %sub3A_428 : vector<128x3584xf32>
    %abs3A_430 = math.absf %sub3A_429 : vector<128x3584xf32>
    %dot_general3A_431 = arith.constant dense<0.000000e+00> : vector<1x3584xf32>
    %dot_general3A_432 = tpu.matmul %broadcast_in_dim3A_15, %abs3A_430, %dot_general3A_431 {dimension_numbers = #tpu.dot_dimension_numbers<[1], [0], [0], [1], [0, 0, 1, 1], [], []>, transpose_lhs_hint = false} : vector<1x128xf32>, vector<128x3584xf32>, vector<1x3584xf32> -> vector<1x3584xf32>
    %slice3A_433 = vector.extract_strided_slice %transpose3A_14 {offsets = [0, 70], sizes = [128, 1], strides = [1, 1]} : vector<128x128xf32> to vector<128x1xf32>
    %sub3A_434 = vector.broadcast %slice3A_433 : vector<128x1xf32> to vector<128x3584xf32>
    %sub3A_435 = arith.subf %concatenate3A, %sub3A_434 : vector<128x3584xf32>
    %abs3A_436 = math.absf %sub3A_435 : vector<128x3584xf32>
    %dot_general3A_437 = arith.constant dense<0.000000e+00> : vector<1x3584xf32>
    %dot_general3A_438 = tpu.matmul %broadcast_in_dim3A_15, %abs3A_436, %dot_general3A_437 {dimension_numbers = #tpu.dot_dimension_numbers<[1], [0], [0], [1], [0, 0, 1, 1], [], []>, transpose_lhs_hint = false} : vector<1x128xf32>, vector<128x3584xf32>, vector<1x3584xf32> -> vector<1x3584xf32>
    %slice3A_439 = vector.extract_strided_slice %transpose3A_14 {offsets = [0, 71], sizes = [128, 1], strides = [1, 1]} : vector<128x128xf32> to vector<128x1xf32>
    %sub3A_440 = vector.broadcast %slice3A_439 : vector<128x1xf32> to vector<128x3584xf32>
    %sub3A_441 = arith.subf %concatenate3A, %sub3A_440 : vector<128x3584xf32>
    %abs3A_442 = math.absf %sub3A_441 : vector<128x3584xf32>
    %dot_general3A_443 = arith.constant dense<0.000000e+00> : vector<1x3584xf32>
    %dot_general3A_444 = tpu.matmul %broadcast_in_dim3A_15, %abs3A_442, %dot_general3A_443 {dimension_numbers = #tpu.dot_dimension_numbers<[1], [0], [0], [1], [0, 0, 1, 1], [], []>, transpose_lhs_hint = false} : vector<1x128xf32>, vector<128x3584xf32>, vector<1x3584xf32> -> vector<1x3584xf32>
    %slice3A_445 = vector.extract_strided_slice %transpose3A_14 {offsets = [0, 72], sizes = [128, 1], strides = [1, 1]} : vector<128x128xf32> to vector<128x1xf32>
    %sub3A_446 = vector.broadcast %slice3A_445 : vector<128x1xf32> to vector<128x3584xf32>
    %sub3A_447 = arith.subf %concatenate3A, %sub3A_446 : vector<128x3584xf32>
    %abs3A_448 = math.absf %sub3A_447 : vector<128x3584xf32>
    %dot_general3A_449 = arith.constant dense<0.000000e+00> : vector<1x3584xf32>
    %dot_general3A_450 = tpu.matmul %broadcast_in_dim3A_15, %abs3A_448, %dot_general3A_449 {dimension_numbers = #tpu.dot_dimension_numbers<[1], [0], [0], [1], [0, 0, 1, 1], [], []>, transpose_lhs_hint = false} : vector<1x128xf32>, vector<128x3584xf32>, vector<1x3584xf32> -> vector<1x3584xf32>
    %slice3A_451 = vector.extract_strided_slice %transpose3A_14 {offsets = [0, 73], sizes = [128, 1], strides = [1, 1]} : vector<128x128xf32> to vector<128x1xf32>
    %sub3A_452 = vector.broadcast %slice3A_451 : vector<128x1xf32> to vector<128x3584xf32>
    %sub3A_453 = arith.subf %concatenate3A, %sub3A_452 : vector<128x3584xf32>
    %abs3A_454 = math.absf %sub3A_453 : vector<128x3584xf32>
    %dot_general3A_455 = arith.constant dense<0.000000e+00> : vector<1x3584xf32>
    %dot_general3A_456 = tpu.matmul %broadcast_in_dim3A_15, %abs3A_454, %dot_general3A_455 {dimension_numbers = #tpu.dot_dimension_numbers<[1], [0], [0], [1], [0, 0, 1, 1], [], []>, transpose_lhs_hint = false} : vector<1x128xf32>, vector<128x3584xf32>, vector<1x3584xf32> -> vector<1x3584xf32>
    %slice3A_457 = vector.extract_strided_slice %transpose3A_14 {offsets = [0, 74], sizes = [128, 1], strides = [1, 1]} : vector<128x128xf32> to vector<128x1xf32>
    %sub3A_458 = vector.broadcast %slice3A_457 : vector<128x1xf32> to vector<128x3584xf32>
    %sub3A_459 = arith.subf %concatenate3A, %sub3A_458 : vector<128x3584xf32>
    %abs3A_460 = math.absf %sub3A_459 : vector<128x3584xf32>
    %dot_general3A_461 = arith.constant dense<0.000000e+00> : vector<1x3584xf32>
    %dot_general3A_462 = tpu.matmul %broadcast_in_dim3A_15, %abs3A_460, %dot_general3A_461 {dimension_numbers = #tpu.dot_dimension_numbers<[1], [0], [0], [1], [0, 0, 1, 1], [], []>, transpose_lhs_hint = false} : vector<1x128xf32>, vector<128x3584xf32>, vector<1x3584xf32> -> vector<1x3584xf32>
    %slice3A_463 = vector.extract_strided_slice %transpose3A_14 {offsets = [0, 75], sizes = [128, 1], strides = [1, 1]} : vector<128x128xf32> to vector<128x1xf32>
    %sub3A_464 = vector.broadcast %slice3A_463 : vector<128x1xf32> to vector<128x3584xf32>
    %sub3A_465 = arith.subf %concatenate3A, %sub3A_464 : vector<128x3584xf32>
    %abs3A_466 = math.absf %sub3A_465 : vector<128x3584xf32>
    %dot_general3A_467 = arith.constant dense<0.000000e+00> : vector<1x3584xf32>
    %dot_general3A_468 = tpu.matmul %broadcast_in_dim3A_15, %abs3A_466, %dot_general3A_467 {dimension_numbers = #tpu.dot_dimension_numbers<[1], [0], [0], [1], [0, 0, 1, 1], [], []>, transpose_lhs_hint = false} : vector<1x128xf32>, vector<128x3584xf32>, vector<1x3584xf32> -> vector<1x3584xf32>
    %slice3A_469 = vector.extract_strided_slice %transpose3A_14 {offsets = [0, 76], sizes = [128, 1], strides = [1, 1]} : vector<128x128xf32> to vector<128x1xf32>
    %sub3A_470 = vector.broadcast %slice3A_469 : vector<128x1xf32> to vector<128x3584xf32>
    %sub3A_471 = arith.subf %concatenate3A, %sub3A_470 : vector<128x3584xf32>
    %abs3A_472 = math.absf %sub3A_471 : vector<128x3584xf32>
    %dot_general3A_473 = arith.constant dense<0.000000e+00> : vector<1x3584xf32>
    %dot_general3A_474 = tpu.matmul %broadcast_in_dim3A_15, %abs3A_472, %dot_general3A_473 {dimension_numbers = #tpu.dot_dimension_numbers<[1], [0], [0], [1], [0, 0, 1, 1], [], []>, transpose_lhs_hint = false} : vector<1x128xf32>, vector<128x3584xf32>, vector<1x3584xf32> -> vector<1x3584xf32>
    %slice3A_475 = vector.extract_strided_slice %transpose3A_14 {offsets = [0, 77], sizes = [128, 1], strides = [1, 1]} : vector<128x128xf32> to vector<128x1xf32>
    %sub3A_476 = vector.broadcast %slice3A_475 : vector<128x1xf32> to vector<128x3584xf32>
    %sub3A_477 = arith.subf %concatenate3A, %sub3A_476 : vector<128x3584xf32>
    %abs3A_478 = math.absf %sub3A_477 : vector<128x3584xf32>
    %dot_general3A_479 = arith.constant dense<0.000000e+00> : vector<1x3584xf32>
    %dot_general3A_480 = tpu.matmul %broadcast_in_dim3A_15, %abs3A_478, %dot_general3A_479 {dimension_numbers = #tpu.dot_dimension_numbers<[1], [0], [0], [1], [0, 0, 1, 1], [], []>, transpose_lhs_hint = false} : vector<1x128xf32>, vector<128x3584xf32>, vector<1x3584xf32> -> vector<1x3584xf32>
    %slice3A_481 = vector.extract_strided_slice %transpose3A_14 {offsets = [0, 78], sizes = [128, 1], strides = [1, 1]} : vector<128x128xf32> to vector<128x1xf32>
    %sub3A_482 = vector.broadcast %slice3A_481 : vector<128x1xf32> to vector<128x3584xf32>
    %sub3A_483 = arith.subf %concatenate3A, %sub3A_482 : vector<128x3584xf32>
    %abs3A_484 = math.absf %sub3A_483 : vector<128x3584xf32>
    %dot_general3A_485 = arith.constant dense<0.000000e+00> : vector<1x3584xf32>
    %dot_general3A_486 = tpu.matmul %broadcast_in_dim3A_15, %abs3A_484, %dot_general3A_485 {dimension_numbers = #tpu.dot_dimension_numbers<[1], [0], [0], [1], [0, 0, 1, 1], [], []>, transpose_lhs_hint = false} : vector<1x128xf32>, vector<128x3584xf32>, vector<1x3584xf32> -> vector<1x3584xf32>
    %slice3A_487 = vector.extract_strided_slice %transpose3A_14 {offsets = [0, 79], sizes = [128, 1], strides = [1, 1]} : vector<128x128xf32> to vector<128x1xf32>
    %sub3A_488 = vector.broadcast %slice3A_487 : vector<128x1xf32> to vector<128x3584xf32>
    %sub3A_489 = arith.subf %concatenate3A, %sub3A_488 : vector<128x3584xf32>
    %abs3A_490 = math.absf %sub3A_489 : vector<128x3584xf32>
    %dot_general3A_491 = arith.constant dense<0.000000e+00> : vector<1x3584xf32>
    %dot_general3A_492 = tpu.matmul %broadcast_in_dim3A_15, %abs3A_490, %dot_general3A_491 {dimension_numbers = #tpu.dot_dimension_numbers<[1], [0], [0], [1], [0, 0, 1, 1], [], []>, transpose_lhs_hint = false} : vector<1x128xf32>, vector<128x3584xf32>, vector<1x3584xf32> -> vector<1x3584xf32>
    %slice3A_493 = vector.extract_strided_slice %transpose3A_14 {offsets = [0, 80], sizes = [128, 1], strides = [1, 1]} : vector<128x128xf32> to vector<128x1xf32>
    %sub3A_494 = vector.broadcast %slice3A_493 : vector<128x1xf32> to vector<128x3584xf32>
    %sub3A_495 = arith.subf %concatenate3A, %sub3A_494 : vector<128x3584xf32>
    %abs3A_496 = math.absf %sub3A_495 : vector<128x3584xf32>
    %dot_general3A_497 = arith.constant dense<0.000000e+00> : vector<1x3584xf32>
    %dot_general3A_498 = tpu.matmul %broadcast_in_dim3A_15, %abs3A_496, %dot_general3A_497 {dimension_numbers = #tpu.dot_dimension_numbers<[1], [0], [0], [1], [0, 0, 1, 1], [], []>, transpose_lhs_hint = false} : vector<1x128xf32>, vector<128x3584xf32>, vector<1x3584xf32> -> vector<1x3584xf32>
    %slice3A_499 = vector.extract_strided_slice %transpose3A_14 {offsets = [0, 81], sizes = [128, 1], strides = [1, 1]} : vector<128x128xf32> to vector<128x1xf32>
    %sub3A_500 = vector.broadcast %slice3A_499 : vector<128x1xf32> to vector<128x3584xf32>
    %sub3A_501 = arith.subf %concatenate3A, %sub3A_500 : vector<128x3584xf32>
    %abs3A_502 = math.absf %sub3A_501 : vector<128x3584xf32>
    %dot_general3A_503 = arith.constant dense<0.000000e+00> : vector<1x3584xf32>
    %dot_general3A_504 = tpu.matmul %broadcast_in_dim3A_15, %abs3A_502, %dot_general3A_503 {dimension_numbers = #tpu.dot_dimension_numbers<[1], [0], [0], [1], [0, 0, 1, 1], [], []>, transpose_lhs_hint = false} : vector<1x128xf32>, vector<128x3584xf32>, vector<1x3584xf32> -> vector<1x3584xf32>
    %slice3A_505 = vector.extract_strided_slice %transpose3A_14 {offsets = [0, 82], sizes = [128, 1], strides = [1, 1]} : vector<128x128xf32> to vector<128x1xf32>
    %sub3A_506 = vector.broadcast %slice3A_505 : vector<128x1xf32> to vector<128x3584xf32>
    %sub3A_507 = arith.subf %concatenate3A, %sub3A_506 : vector<128x3584xf32>
    %abs3A_508 = math.absf %sub3A_507 : vector<128x3584xf32>
    %dot_general3A_509 = arith.constant dense<0.000000e+00> : vector<1x3584xf32>
    %dot_general3A_510 = tpu.matmul %broadcast_in_dim3A_15, %abs3A_508, %dot_general3A_509 {dimension_numbers = #tpu.dot_dimension_numbers<[1], [0], [0], [1], [0, 0, 1, 1], [], []>, transpose_lhs_hint = false} : vector<1x128xf32>, vector<128x3584xf32>, vector<1x3584xf32> -> vector<1x3584xf32>
    %slice3A_511 = vector.extract_strided_slice %transpose3A_14 {offsets = [0, 83], sizes = [128, 1], strides = [1, 1]} : vector<128x128xf32> to vector<128x1xf32>
    %sub3A_512 = vector.broadcast %slice3A_511 : vector<128x1xf32> to vector<128x3584xf32>
    %sub3A_513 = arith.subf %concatenate3A, %sub3A_512 : vector<128x3584xf32>
    %abs3A_514 = math.absf %sub3A_513 : vector<128x3584xf32>
    %dot_general3A_515 = arith.constant dense<0.000000e+00> : vector<1x3584xf32>
    %dot_general3A_516 = tpu.matmul %broadcast_in_dim3A_15, %abs3A_514, %dot_general3A_515 {dimension_numbers = #tpu.dot_dimension_numbers<[1], [0], [0], [1], [0, 0, 1, 1], [], []>, transpose_lhs_hint = false} : vector<1x128xf32>, vector<128x3584xf32>, vector<1x3584xf32> -> vector<1x3584xf32>
    %slice3A_517 = vector.extract_strided_slice %transpose3A_14 {offsets = [0, 84], sizes = [128, 1], strides = [1, 1]} : vector<128x128xf32> to vector<128x1xf32>
    %sub3A_518 = vector.broadcast %slice3A_517 : vector<128x1xf32> to vector<128x3584xf32>
    %sub3A_519 = arith.subf %concatenate3A, %sub3A_518 : vector<128x3584xf32>
    %abs3A_520 = math.absf %sub3A_519 : vector<128x3584xf32>
    %dot_general3A_521 = arith.constant dense<0.000000e+00> : vector<1x3584xf32>
    %dot_general3A_522 = tpu.matmul %broadcast_in_dim3A_15, %abs3A_520, %dot_general3A_521 {dimension_numbers = #tpu.dot_dimension_numbers<[1], [0], [0], [1], [0, 0, 1, 1], [], []>, transpose_lhs_hint = false} : vector<1x128xf32>, vector<128x3584xf32>, vector<1x3584xf32> -> vector<1x3584xf32>
    %slice3A_523 = vector.extract_strided_slice %transpose3A_14 {offsets = [0, 85], sizes = [128, 1], strides = [1, 1]} : vector<128x128xf32> to vector<128x1xf32>
    %sub3A_524 = vector.broadcast %slice3A_523 : vector<128x1xf32> to vector<128x3584xf32>
    %sub3A_525 = arith.subf %concatenate3A, %sub3A_524 : vector<128x3584xf32>
    %abs3A_526 = math.absf %sub3A_525 : vector<128x3584xf32>
    %dot_general3A_527 = arith.constant dense<0.000000e+00> : vector<1x3584xf32>
    %dot_general3A_528 = tpu.matmul %broadcast_in_dim3A_15, %abs3A_526, %dot_general3A_527 {dimension_numbers = #tpu.dot_dimension_numbers<[1], [0], [0], [1], [0, 0, 1, 1], [], []>, transpose_lhs_hint = false} : vector<1x128xf32>, vector<128x3584xf32>, vector<1x3584xf32> -> vector<1x3584xf32>
    %slice3A_529 = vector.extract_strided_slice %transpose3A_14 {offsets = [0, 86], sizes = [128, 1], strides = [1, 1]} : vector<128x128xf32> to vector<128x1xf32>
    %sub3A_530 = vector.broadcast %slice3A_529 : vector<128x1xf32> to vector<128x3584xf32>
    %sub3A_531 = arith.subf %concatenate3A, %sub3A_530 : vector<128x3584xf32>
    %abs3A_532 = math.absf %sub3A_531 : vector<128x3584xf32>
    %dot_general3A_533 = arith.constant dense<0.000000e+00> : vector<1x3584xf32>
    %dot_general3A_534 = tpu.matmul %broadcast_in_dim3A_15, %abs3A_532, %dot_general3A_533 {dimension_numbers = #tpu.dot_dimension_numbers<[1], [0], [0], [1], [0, 0, 1, 1], [], []>, transpose_lhs_hint = false} : vector<1x128xf32>, vector<128x3584xf32>, vector<1x3584xf32> -> vector<1x3584xf32>
    %slice3A_535 = vector.extract_strided_slice %transpose3A_14 {offsets = [0, 87], sizes = [128, 1], strides = [1, 1]} : vector<128x128xf32> to vector<128x1xf32>
    %sub3A_536 = vector.broadcast %slice3A_535 : vector<128x1xf32> to vector<128x3584xf32>
    %sub3A_537 = arith.subf %concatenate3A, %sub3A_536 : vector<128x3584xf32>
    %abs3A_538 = math.absf %sub3A_537 : vector<128x3584xf32>
    %dot_general3A_539 = arith.constant dense<0.000000e+00> : vector<1x3584xf32>
    %dot_general3A_540 = tpu.matmul %broadcast_in_dim3A_15, %abs3A_538, %dot_general3A_539 {dimension_numbers = #tpu.dot_dimension_numbers<[1], [0], [0], [1], [0, 0, 1, 1], [], []>, transpose_lhs_hint = false} : vector<1x128xf32>, vector<128x3584xf32>, vector<1x3584xf32> -> vector<1x3584xf32>
    %slice3A_541 = vector.extract_strided_slice %transpose3A_14 {offsets = [0, 88], sizes = [128, 1], strides = [1, 1]} : vector<128x128xf32> to vector<128x1xf32>
    %sub3A_542 = vector.broadcast %slice3A_541 : vector<128x1xf32> to vector<128x3584xf32>
    %sub3A_543 = arith.subf %concatenate3A, %sub3A_542 : vector<128x3584xf32>
    %abs3A_544 = math.absf %sub3A_543 : vector<128x3584xf32>
    %dot_general3A_545 = arith.constant dense<0.000000e+00> : vector<1x3584xf32>
    %dot_general3A_546 = tpu.matmul %broadcast_in_dim3A_15, %abs3A_544, %dot_general3A_545 {dimension_numbers = #tpu.dot_dimension_numbers<[1], [0], [0], [1], [0, 0, 1, 1], [], []>, transpose_lhs_hint = false} : vector<1x128xf32>, vector<128x3584xf32>, vector<1x3584xf32> -> vector<1x3584xf32>
    %slice3A_547 = vector.extract_strided_slice %transpose3A_14 {offsets = [0, 89], sizes = [128, 1], strides = [1, 1]} : vector<128x128xf32> to vector<128x1xf32>
    %sub3A_548 = vector.broadcast %slice3A_547 : vector<128x1xf32> to vector<128x3584xf32>
    %sub3A_549 = arith.subf %concatenate3A, %sub3A_548 : vector<128x3584xf32>
    %abs3A_550 = math.absf %sub3A_549 : vector<128x3584xf32>
    %dot_general3A_551 = arith.constant dense<0.000000e+00> : vector<1x3584xf32>
    %dot_general3A_552 = tpu.matmul %broadcast_in_dim3A_15, %abs3A_550, %dot_general3A_551 {dimension_numbers = #tpu.dot_dimension_numbers<[1], [0], [0], [1], [0, 0, 1, 1], [], []>, transpose_lhs_hint = false} : vector<1x128xf32>, vector<128x3584xf32>, vector<1x3584xf32> -> vector<1x3584xf32>
    %slice3A_553 = vector.extract_strided_slice %transpose3A_14 {offsets = [0, 90], sizes = [128, 1], strides = [1, 1]} : vector<128x128xf32> to vector<128x1xf32>
    %sub3A_554 = vector.broadcast %slice3A_553 : vector<128x1xf32> to vector<128x3584xf32>
    %sub3A_555 = arith.subf %concatenate3A, %sub3A_554 : vector<128x3584xf32>
    %abs3A_556 = math.absf %sub3A_555 : vector<128x3584xf32>
    %dot_general3A_557 = arith.constant dense<0.000000e+00> : vector<1x3584xf32>
    %dot_general3A_558 = tpu.matmul %broadcast_in_dim3A_15, %abs3A_556, %dot_general3A_557 {dimension_numbers = #tpu.dot_dimension_numbers<[1], [0], [0], [1], [0, 0, 1, 1], [], []>, transpose_lhs_hint = false} : vector<1x128xf32>, vector<128x3584xf32>, vector<1x3584xf32> -> vector<1x3584xf32>
    %slice3A_559 = vector.extract_strided_slice %transpose3A_14 {offsets = [0, 91], sizes = [128, 1], strides = [1, 1]} : vector<128x128xf32> to vector<128x1xf32>
    %sub3A_560 = vector.broadcast %slice3A_559 : vector<128x1xf32> to vector<128x3584xf32>
    %sub3A_561 = arith.subf %concatenate3A, %sub3A_560 : vector<128x3584xf32>
    %abs3A_562 = math.absf %sub3A_561 : vector<128x3584xf32>
    %dot_general3A_563 = arith.constant dense<0.000000e+00> : vector<1x3584xf32>
    %dot_general3A_564 = tpu.matmul %broadcast_in_dim3A_15, %abs3A_562, %dot_general3A_563 {dimension_numbers = #tpu.dot_dimension_numbers<[1], [0], [0], [1], [0, 0, 1, 1], [], []>, transpose_lhs_hint = false} : vector<1x128xf32>, vector<128x3584xf32>, vector<1x3584xf32> -> vector<1x3584xf32>
    %slice3A_565 = vector.extract_strided_slice %transpose3A_14 {offsets = [0, 92], sizes = [128, 1], strides = [1, 1]} : vector<128x128xf32> to vector<128x1xf32>
    %sub3A_566 = vector.broadcast %slice3A_565 : vector<128x1xf32> to vector<128x3584xf32>
    %sub3A_567 = arith.subf %concatenate3A, %sub3A_566 : vector<128x3584xf32>
    %abs3A_568 = math.absf %sub3A_567 : vector<128x3584xf32>
    %dot_general3A_569 = arith.constant dense<0.000000e+00> : vector<1x3584xf32>
    %dot_general3A_570 = tpu.matmul %broadcast_in_dim3A_15, %abs3A_568, %dot_general3A_569 {dimension_numbers = #tpu.dot_dimension_numbers<[1], [0], [0], [1], [0, 0, 1, 1], [], []>, transpose_lhs_hint = false} : vector<1x128xf32>, vector<128x3584xf32>, vector<1x3584xf32> -> vector<1x3584xf32>
    %slice3A_571 = vector.extract_strided_slice %transpose3A_14 {offsets = [0, 93], sizes = [128, 1], strides = [1, 1]} : vector<128x128xf32> to vector<128x1xf32>
    %sub3A_572 = vector.broadcast %slice3A_571 : vector<128x1xf32> to vector<128x3584xf32>
    %sub3A_573 = arith.subf %concatenate3A, %sub3A_572 : vector<128x3584xf32>
    %abs3A_574 = math.absf %sub3A_573 : vector<128x3584xf32>
    %dot_general3A_575 = arith.constant dense<0.000000e+00> : vector<1x3584xf32>
    %dot_general3A_576 = tpu.matmul %broadcast_in_dim3A_15, %abs3A_574, %dot_general3A_575 {dimension_numbers = #tpu.dot_dimension_numbers<[1], [0], [0], [1], [0, 0, 1, 1], [], []>, transpose_lhs_hint = false} : vector<1x128xf32>, vector<128x3584xf32>, vector<1x3584xf32> -> vector<1x3584xf32>
    %slice3A_577 = vector.extract_strided_slice %transpose3A_14 {offsets = [0, 94], sizes = [128, 1], strides = [1, 1]} : vector<128x128xf32> to vector<128x1xf32>
    %sub3A_578 = vector.broadcast %slice3A_577 : vector<128x1xf32> to vector<128x3584xf32>
    %sub3A_579 = arith.subf %concatenate3A, %sub3A_578 : vector<128x3584xf32>
    %abs3A_580 = math.absf %sub3A_579 : vector<128x3584xf32>
    %dot_general3A_581 = arith.constant dense<0.000000e+00> : vector<1x3584xf32>
    %dot_general3A_582 = tpu.matmul %broadcast_in_dim3A_15, %abs3A_580, %dot_general3A_581 {dimension_numbers = #tpu.dot_dimension_numbers<[1], [0], [0], [1], [0, 0, 1, 1], [], []>, transpose_lhs_hint = false} : vector<1x128xf32>, vector<128x3584xf32>, vector<1x3584xf32> -> vector<1x3584xf32>
    %slice3A_583 = vector.extract_strided_slice %transpose3A_14 {offsets = [0, 95], sizes = [128, 1], strides = [1, 1]} : vector<128x128xf32> to vector<128x1xf32>
    %sub3A_584 = vector.broadcast %slice3A_583 : vector<128x1xf32> to vector<128x3584xf32>
    %sub3A_585 = arith.subf %concatenate3A, %sub3A_584 : vector<128x3584xf32>
    %abs3A_586 = math.absf %sub3A_585 : vector<128x3584xf32>
    %dot_general3A_587 = arith.constant dense<0.000000e+00> : vector<1x3584xf32>
    %dot_general3A_588 = tpu.matmul %broadcast_in_dim3A_15, %abs3A_586, %dot_general3A_587 {dimension_numbers = #tpu.dot_dimension_numbers<[1], [0], [0], [1], [0, 0, 1, 1], [], []>, transpose_lhs_hint = false} : vector<1x128xf32>, vector<128x3584xf32>, vector<1x3584xf32> -> vector<1x3584xf32>
    %slice3A_589 = vector.extract_strided_slice %transpose3A_14 {offsets = [0, 96], sizes = [128, 1], strides = [1, 1]} : vector<128x128xf32> to vector<128x1xf32>
    %sub3A_590 = vector.broadcast %slice3A_589 : vector<128x1xf32> to vector<128x3584xf32>
    %sub3A_591 = arith.subf %concatenate3A, %sub3A_590 : vector<128x3584xf32>
    %abs3A_592 = math.absf %sub3A_591 : vector<128x3584xf32>
    %dot_general3A_593 = arith.constant dense<0.000000e+00> : vector<1x3584xf32>
    %dot_general3A_594 = tpu.matmul %broadcast_in_dim3A_15, %abs3A_592, %dot_general3A_593 {dimension_numbers = #tpu.dot_dimension_numbers<[1], [0], [0], [1], [0, 0, 1, 1], [], []>, transpose_lhs_hint = false} : vector<1x128xf32>, vector<128x3584xf32>, vector<1x3584xf32> -> vector<1x3584xf32>
    %slice3A_595 = vector.extract_strided_slice %transpose3A_14 {offsets = [0, 97], sizes = [128, 1], strides = [1, 1]} : vector<128x128xf32> to vector<128x1xf32>
    %sub3A_596 = vector.broadcast %slice3A_595 : vector<128x1xf32> to vector<128x3584xf32>
    %sub3A_597 = arith.subf %concatenate3A, %sub3A_596 : vector<128x3584xf32>
    %abs3A_598 = math.absf %sub3A_597 : vector<128x3584xf32>
    %dot_general3A_599 = arith.constant dense<0.000000e+00> : vector<1x3584xf32>
    %dot_general3A_600 = tpu.matmul %broadcast_in_dim3A_15, %abs3A_598, %dot_general3A_599 {dimension_numbers = #tpu.dot_dimension_numbers<[1], [0], [0], [1], [0, 0, 1, 1], [], []>, transpose_lhs_hint = false} : vector<1x128xf32>, vector<128x3584xf32>, vector<1x3584xf32> -> vector<1x3584xf32>
    %slice3A_601 = vector.extract_strided_slice %transpose3A_14 {offsets = [0, 98], sizes = [128, 1], strides = [1, 1]} : vector<128x128xf32> to vector<128x1xf32>
    %sub3A_602 = vector.broadcast %slice3A_601 : vector<128x1xf32> to vector<128x3584xf32>
    %sub3A_603 = arith.subf %concatenate3A, %sub3A_602 : vector<128x3584xf32>
    %abs3A_604 = math.absf %sub3A_603 : vector<128x3584xf32>
    %dot_general3A_605 = arith.constant dense<0.000000e+00> : vector<1x3584xf32>
    %dot_general3A_606 = tpu.matmul %broadcast_in_dim3A_15, %abs3A_604, %dot_general3A_605 {dimension_numbers = #tpu.dot_dimension_numbers<[1], [0], [0], [1], [0, 0, 1, 1], [], []>, transpose_lhs_hint = false} : vector<1x128xf32>, vector<128x3584xf32>, vector<1x3584xf32> -> vector<1x3584xf32>
    %slice3A_607 = vector.extract_strided_slice %transpose3A_14 {offsets = [0, 99], sizes = [128, 1], strides = [1, 1]} : vector<128x128xf32> to vector<128x1xf32>
    %sub3A_608 = vector.broadcast %slice3A_607 : vector<128x1xf32> to vector<128x3584xf32>
    %sub3A_609 = arith.subf %concatenate3A, %sub3A_608 : vector<128x3584xf32>
    %abs3A_610 = math.absf %sub3A_609 : vector<128x3584xf32>
    %dot_general3A_611 = arith.constant dense<0.000000e+00> : vector<1x3584xf32>
    %dot_general3A_612 = tpu.matmul %broadcast_in_dim3A_15, %abs3A_610, %dot_general3A_611 {dimension_numbers = #tpu.dot_dimension_numbers<[1], [0], [0], [1], [0, 0, 1, 1], [], []>, transpose_lhs_hint = false} : vector<1x128xf32>, vector<128x3584xf32>, vector<1x3584xf32> -> vector<1x3584xf32>
    %slice3A_613 = vector.extract_strided_slice %transpose3A_14 {offsets = [0, 100], sizes = [128, 1], strides = [1, 1]} : vector<128x128xf32> to vector<128x1xf32>
    %sub3A_614 = vector.broadcast %slice3A_613 : vector<128x1xf32> to vector<128x3584xf32>
    %sub3A_615 = arith.subf %concatenate3A, %sub3A_614 : vector<128x3584xf32>
    %abs3A_616 = math.absf %sub3A_615 : vector<128x3584xf32>
    %dot_general3A_617 = arith.constant dense<0.000000e+00> : vector<1x3584xf32>
    %dot_general3A_618 = tpu.matmul %broadcast_in_dim3A_15, %abs3A_616, %dot_general3A_617 {dimension_numbers = #tpu.dot_dimension_numbers<[1], [0], [0], [1], [0, 0, 1, 1], [], []>, transpose_lhs_hint = false} : vector<1x128xf32>, vector<128x3584xf32>, vector<1x3584xf32> -> vector<1x3584xf32>
    %slice3A_619 = vector.extract_strided_slice %transpose3A_14 {offsets = [0, 101], sizes = [128, 1], strides = [1, 1]} : vector<128x128xf32> to vector<128x1xf32>
    %sub3A_620 = vector.broadcast %slice3A_619 : vector<128x1xf32> to vector<128x3584xf32>
    %sub3A_621 = arith.subf %concatenate3A, %sub3A_620 : vector<128x3584xf32>
    %abs3A_622 = math.absf %sub3A_621 : vector<128x3584xf32>
    %dot_general3A_623 = arith.constant dense<0.000000e+00> : vector<1x3584xf32>
    %dot_general3A_624 = tpu.matmul %broadcast_in_dim3A_15, %abs3A_622, %dot_general3A_623 {dimension_numbers = #tpu.dot_dimension_numbers<[1], [0], [0], [1], [0, 0, 1, 1], [], []>, transpose_lhs_hint = false} : vector<1x128xf32>, vector<128x3584xf32>, vector<1x3584xf32> -> vector<1x3584xf32>
    %slice3A_625 = vector.extract_strided_slice %transpose3A_14 {offsets = [0, 102], sizes = [128, 1], strides = [1, 1]} : vector<128x128xf32> to vector<128x1xf32>
    %sub3A_626 = vector.broadcast %slice3A_625 : vector<128x1xf32> to vector<128x3584xf32>
    %sub3A_627 = arith.subf %concatenate3A, %sub3A_626 : vector<128x3584xf32>
    %abs3A_628 = math.absf %sub3A_627 : vector<128x3584xf32>
    %dot_general3A_629 = arith.constant dense<0.000000e+00> : vector<1x3584xf32>
    %dot_general3A_630 = tpu.matmul %broadcast_in_dim3A_15, %abs3A_628, %dot_general3A_629 {dimension_numbers = #tpu.dot_dimension_numbers<[1], [0], [0], [1], [0, 0, 1, 1], [], []>, transpose_lhs_hint = false} : vector<1x128xf32>, vector<128x3584xf32>, vector<1x3584xf32> -> vector<1x3584xf32>
    %slice3A_631 = vector.extract_strided_slice %transpose3A_14 {offsets = [0, 103], sizes = [128, 1], strides = [1, 1]} : vector<128x128xf32> to vector<128x1xf32>
    %sub3A_632 = vector.broadcast %slice3A_631 : vector<128x1xf32> to vector<128x3584xf32>
    %sub3A_633 = arith.subf %concatenate3A, %sub3A_632 : vector<128x3584xf32>
    %abs3A_634 = math.absf %sub3A_633 : vector<128x3584xf32>
    %dot_general3A_635 = arith.constant dense<0.000000e+00> : vector<1x3584xf32>
    %dot_general3A_636 = tpu.matmul %broadcast_in_dim3A_15, %abs3A_634, %dot_general3A_635 {dimension_numbers = #tpu.dot_dimension_numbers<[1], [0], [0], [1], [0, 0, 1, 1], [], []>, transpose_lhs_hint = false} : vector<1x128xf32>, vector<128x3584xf32>, vector<1x3584xf32> -> vector<1x3584xf32>
    %slice3A_637 = vector.extract_strided_slice %transpose3A_14 {offsets = [0, 104], sizes = [128, 1], strides = [1, 1]} : vector<128x128xf32> to vector<128x1xf32>
    %sub3A_638 = vector.broadcast %slice3A_637 : vector<128x1xf32> to vector<128x3584xf32>
    %sub3A_639 = arith.subf %concatenate3A, %sub3A_638 : vector<128x3584xf32>
    %abs3A_640 = math.absf %sub3A_639 : vector<128x3584xf32>
    %dot_general3A_641 = arith.constant dense<0.000000e+00> : vector<1x3584xf32>
    %dot_general3A_642 = tpu.matmul %broadcast_in_dim3A_15, %abs3A_640, %dot_general3A_641 {dimension_numbers = #tpu.dot_dimension_numbers<[1], [0], [0], [1], [0, 0, 1, 1], [], []>, transpose_lhs_hint = false} : vector<1x128xf32>, vector<128x3584xf32>, vector<1x3584xf32> -> vector<1x3584xf32>
    %slice3A_643 = vector.extract_strided_slice %transpose3A_14 {offsets = [0, 105], sizes = [128, 1], strides = [1, 1]} : vector<128x128xf32> to vector<128x1xf32>
    %sub3A_644 = vector.broadcast %slice3A_643 : vector<128x1xf32> to vector<128x3584xf32>
    %sub3A_645 = arith.subf %concatenate3A, %sub3A_644 : vector<128x3584xf32>
    %abs3A_646 = math.absf %sub3A_645 : vector<128x3584xf32>
    %dot_general3A_647 = arith.constant dense<0.000000e+00> : vector<1x3584xf32>
    %dot_general3A_648 = tpu.matmul %broadcast_in_dim3A_15, %abs3A_646, %dot_general3A_647 {dimension_numbers = #tpu.dot_dimension_numbers<[1], [0], [0], [1], [0, 0, 1, 1], [], []>, transpose_lhs_hint = false} : vector<1x128xf32>, vector<128x3584xf32>, vector<1x3584xf32> -> vector<1x3584xf32>
    %slice3A_649 = vector.extract_strided_slice %transpose3A_14 {offsets = [0, 106], sizes = [128, 1], strides = [1, 1]} : vector<128x128xf32> to vector<128x1xf32>
    %sub3A_650 = vector.broadcast %slice3A_649 : vector<128x1xf32> to vector<128x3584xf32>
    %sub3A_651 = arith.subf %concatenate3A, %sub3A_650 : vector<128x3584xf32>
    %abs3A_652 = math.absf %sub3A_651 : vector<128x3584xf32>
    %dot_general3A_653 = arith.constant dense<0.000000e+00> : vector<1x3584xf32>
    %dot_general3A_654 = tpu.matmul %broadcast_in_dim3A_15, %abs3A_652, %dot_general3A_653 {dimension_numbers = #tpu.dot_dimension_numbers<[1], [0], [0], [1], [0, 0, 1, 1], [], []>, transpose_lhs_hint = false} : vector<1x128xf32>, vector<128x3584xf32>, vector<1x3584xf32> -> vector<1x3584xf32>
    %slice3A_655 = vector.extract_strided_slice %transpose3A_14 {offsets = [0, 107], sizes = [128, 1], strides = [1, 1]} : vector<128x128xf32> to vector<128x1xf32>
    %sub3A_656 = vector.broadcast %slice3A_655 : vector<128x1xf32> to vector<128x3584xf32>
    %sub3A_657 = arith.subf %concatenate3A, %sub3A_656 : vector<128x3584xf32>
    %abs3A_658 = math.absf %sub3A_657 : vector<128x3584xf32>
    %dot_general3A_659 = arith.constant dense<0.000000e+00> : vector<1x3584xf32>
    %dot_general3A_660 = tpu.matmul %broadcast_in_dim3A_15, %abs3A_658, %dot_general3A_659 {dimension_numbers = #tpu.dot_dimension_numbers<[1], [0], [0], [1], [0, 0, 1, 1], [], []>, transpose_lhs_hint = false} : vector<1x128xf32>, vector<128x3584xf32>, vector<1x3584xf32> -> vector<1x3584xf32>
    %slice3A_661 = vector.extract_strided_slice %transpose3A_14 {offsets = [0, 108], sizes = [128, 1], strides = [1, 1]} : vector<128x128xf32> to vector<128x1xf32>
    %sub3A_662 = vector.broadcast %slice3A_661 : vector<128x1xf32> to vector<128x3584xf32>
    %sub3A_663 = arith.subf %concatenate3A, %sub3A_662 : vector<128x3584xf32>
    %abs3A_664 = math.absf %sub3A_663 : vector<128x3584xf32>
    %dot_general3A_665 = arith.constant dense<0.000000e+00> : vector<1x3584xf32>
    %dot_general3A_666 = tpu.matmul %broadcast_in_dim3A_15, %abs3A_664, %dot_general3A_665 {dimension_numbers = #tpu.dot_dimension_numbers<[1], [0], [0], [1], [0, 0, 1, 1], [], []>, transpose_lhs_hint = false} : vector<1x128xf32>, vector<128x3584xf32>, vector<1x3584xf32> -> vector<1x3584xf32>
    %slice3A_667 = vector.extract_strided_slice %transpose3A_14 {offsets = [0, 109], sizes = [128, 1], strides = [1, 1]} : vector<128x128xf32> to vector<128x1xf32>
    %sub3A_668 = vector.broadcast %slice3A_667 : vector<128x1xf32> to vector<128x3584xf32>
    %sub3A_669 = arith.subf %concatenate3A, %sub3A_668 : vector<128x3584xf32>
    %abs3A_670 = math.absf %sub3A_669 : vector<128x3584xf32>
    %dot_general3A_671 = arith.constant dense<0.000000e+00> : vector<1x3584xf32>
    %dot_general3A_672 = tpu.matmul %broadcast_in_dim3A_15, %abs3A_670, %dot_general3A_671 {dimension_numbers = #tpu.dot_dimension_numbers<[1], [0], [0], [1], [0, 0, 1, 1], [], []>, transpose_lhs_hint = false} : vector<1x128xf32>, vector<128x3584xf32>, vector<1x3584xf32> -> vector<1x3584xf32>
    %slice3A_673 = vector.extract_strided_slice %transpose3A_14 {offsets = [0, 110], sizes = [128, 1], strides = [1, 1]} : vector<128x128xf32> to vector<128x1xf32>
    %sub3A_674 = vector.broadcast %slice3A_673 : vector<128x1xf32> to vector<128x3584xf32>
    %sub3A_675 = arith.subf %concatenate3A, %sub3A_674 : vector<128x3584xf32>
    %abs3A_676 = math.absf %sub3A_675 : vector<128x3584xf32>
    %dot_general3A_677 = arith.constant dense<0.000000e+00> : vector<1x3584xf32>
    %dot_general3A_678 = tpu.matmul %broadcast_in_dim3A_15, %abs3A_676, %dot_general3A_677 {dimension_numbers = #tpu.dot_dimension_numbers<[1], [0], [0], [1], [0, 0, 1, 1], [], []>, transpose_lhs_hint = false} : vector<1x128xf32>, vector<128x3584xf32>, vector<1x3584xf32> -> vector<1x3584xf32>
    %slice3A_679 = vector.extract_strided_slice %transpose3A_14 {offsets = [0, 111], sizes = [128, 1], strides = [1, 1]} : vector<128x128xf32> to vector<128x1xf32>
    %sub3A_680 = vector.broadcast %slice3A_679 : vector<128x1xf32> to vector<128x3584xf32>
    %sub3A_681 = arith.subf %concatenate3A, %sub3A_680 : vector<128x3584xf32>
    %abs3A_682 = math.absf %sub3A_681 : vector<128x3584xf32>
    %dot_general3A_683 = arith.constant dense<0.000000e+00> : vector<1x3584xf32>
    %dot_general3A_684 = tpu.matmul %broadcast_in_dim3A_15, %abs3A_682, %dot_general3A_683 {dimension_numbers = #tpu.dot_dimension_numbers<[1], [0], [0], [1], [0, 0, 1, 1], [], []>, transpose_lhs_hint = false} : vector<1x128xf32>, vector<128x3584xf32>, vector<1x3584xf32> -> vector<1x3584xf32>
    %slice3A_685 = vector.extract_strided_slice %transpose3A_14 {offsets = [0, 112], sizes = [128, 1], strides = [1, 1]} : vector<128x128xf32> to vector<128x1xf32>
    %sub3A_686 = vector.broadcast %slice3A_685 : vector<128x1xf32> to vector<128x3584xf32>
    %sub3A_687 = arith.subf %concatenate3A, %sub3A_686 : vector<128x3584xf32>
    %abs3A_688 = math.absf %sub3A_687 : vector<128x3584xf32>
    %dot_general3A_689 = arith.constant dense<0.000000e+00> : vector<1x3584xf32>
    %dot_general3A_690 = tpu.matmul %broadcast_in_dim3A_15, %abs3A_688, %dot_general3A_689 {dimension_numbers = #tpu.dot_dimension_numbers<[1], [0], [0], [1], [0, 0, 1, 1], [], []>, transpose_lhs_hint = false} : vector<1x128xf32>, vector<128x3584xf32>, vector<1x3584xf32> -> vector<1x3584xf32>
    %slice3A_691 = vector.extract_strided_slice %transpose3A_14 {offsets = [0, 113], sizes = [128, 1], strides = [1, 1]} : vector<128x128xf32> to vector<128x1xf32>
    %sub3A_692 = vector.broadcast %slice3A_691 : vector<128x1xf32> to vector<128x3584xf32>
    %sub3A_693 = arith.subf %concatenate3A, %sub3A_692 : vector<128x3584xf32>
    %abs3A_694 = math.absf %sub3A_693 : vector<128x3584xf32>
    %dot_general3A_695 = arith.constant dense<0.000000e+00> : vector<1x3584xf32>
    %dot_general3A_696 = tpu.matmul %broadcast_in_dim3A_15, %abs3A_694, %dot_general3A_695 {dimension_numbers = #tpu.dot_dimension_numbers<[1], [0], [0], [1], [0, 0, 1, 1], [], []>, transpose_lhs_hint = false} : vector<1x128xf32>, vector<128x3584xf32>, vector<1x3584xf32> -> vector<1x3584xf32>
    %slice3A_697 = vector.extract_strided_slice %transpose3A_14 {offsets = [0, 114], sizes = [128, 1], strides = [1, 1]} : vector<128x128xf32> to vector<128x1xf32>
    %sub3A_698 = vector.broadcast %slice3A_697 : vector<128x1xf32> to vector<128x3584xf32>
    %sub3A_699 = arith.subf %concatenate3A, %sub3A_698 : vector<128x3584xf32>
    %abs3A_700 = math.absf %sub3A_699 : vector<128x3584xf32>
    %dot_general3A_701 = arith.constant dense<0.000000e+00> : vector<1x3584xf32>
    %dot_general3A_702 = tpu.matmul %broadcast_in_dim3A_15, %abs3A_700, %dot_general3A_701 {dimension_numbers = #tpu.dot_dimension_numbers<[1], [0], [0], [1], [0, 0, 1, 1], [], []>, transpose_lhs_hint = false} : vector<1x128xf32>, vector<128x3584xf32>, vector<1x3584xf32> -> vector<1x3584xf32>
    %slice3A_703 = vector.extract_strided_slice %transpose3A_14 {offsets = [0, 115], sizes = [128, 1], strides = [1, 1]} : vector<128x128xf32> to vector<128x1xf32>
    %sub3A_704 = vector.broadcast %slice3A_703 : vector<128x1xf32> to vector<128x3584xf32>
    %sub3A_705 = arith.subf %concatenate3A, %sub3A_704 : vector<128x3584xf32>
    %abs3A_706 = math.absf %sub3A_705 : vector<128x3584xf32>
    %dot_general3A_707 = arith.constant dense<0.000000e+00> : vector<1x3584xf32>
    %dot_general3A_708 = tpu.matmul %broadcast_in_dim3A_15, %abs3A_706, %dot_general3A_707 {dimension_numbers = #tpu.dot_dimension_numbers<[1], [0], [0], [1], [0, 0, 1, 1], [], []>, transpose_lhs_hint = false} : vector<1x128xf32>, vector<128x3584xf32>, vector<1x3584xf32> -> vector<1x3584xf32>
    %slice3A_709 = vector.extract_strided_slice %transpose3A_14 {offsets = [0, 116], sizes = [128, 1], strides = [1, 1]} : vector<128x128xf32> to vector<128x1xf32>
    %sub3A_710 = vector.broadcast %slice3A_709 : vector<128x1xf32> to vector<128x3584xf32>
    %sub3A_711 = arith.subf %concatenate3A, %sub3A_710 : vector<128x3584xf32>
    %abs3A_712 = math.absf %sub3A_711 : vector<128x3584xf32>
    %dot_general3A_713 = arith.constant dense<0.000000e+00> : vector<1x3584xf32>
    %dot_general3A_714 = tpu.matmul %broadcast_in_dim3A_15, %abs3A_712, %dot_general3A_713 {dimension_numbers = #tpu.dot_dimension_numbers<[1], [0], [0], [1], [0, 0, 1, 1], [], []>, transpose_lhs_hint = false} : vector<1x128xf32>, vector<128x3584xf32>, vector<1x3584xf32> -> vector<1x3584xf32>
    %slice3A_715 = vector.extract_strided_slice %transpose3A_14 {offsets = [0, 117], sizes = [128, 1], strides = [1, 1]} : vector<128x128xf32> to vector<128x1xf32>
    %sub3A_716 = vector.broadcast %slice3A_715 : vector<128x1xf32> to vector<128x3584xf32>
    %sub3A_717 = arith.subf %concatenate3A, %sub3A_716 : vector<128x3584xf32>
    %abs3A_718 = math.absf %sub3A_717 : vector<128x3584xf32>
    %dot_general3A_719 = arith.constant dense<0.000000e+00> : vector<1x3584xf32>
    %dot_general3A_720 = tpu.matmul %broadcast_in_dim3A_15, %abs3A_718, %dot_general3A_719 {dimension_numbers = #tpu.dot_dimension_numbers<[1], [0], [0], [1], [0, 0, 1, 1], [], []>, transpose_lhs_hint = false} : vector<1x128xf32>, vector<128x3584xf32>, vector<1x3584xf32> -> vector<1x3584xf32>
    %slice3A_721 = vector.extract_strided_slice %transpose3A_14 {offsets = [0, 118], sizes = [128, 1], strides = [1, 1]} : vector<128x128xf32> to vector<128x1xf32>
    %sub3A_722 = vector.broadcast %slice3A_721 : vector<128x1xf32> to vector<128x3584xf32>
    %sub3A_723 = arith.subf %concatenate3A, %sub3A_722 : vector<128x3584xf32>
    %abs3A_724 = math.absf %sub3A_723 : vector<128x3584xf32>
    %dot_general3A_725 = arith.constant dense<0.000000e+00> : vector<1x3584xf32>
    %dot_general3A_726 = tpu.matmul %broadcast_in_dim3A_15, %abs3A_724, %dot_general3A_725 {dimension_numbers = #tpu.dot_dimension_numbers<[1], [0], [0], [1], [0, 0, 1, 1], [], []>, transpose_lhs_hint = false} : vector<1x128xf32>, vector<128x3584xf32>, vector<1x3584xf32> -> vector<1x3584xf32>
    %slice3A_727 = vector.extract_strided_slice %transpose3A_14 {offsets = [0, 119], sizes = [128, 1], strides = [1, 1]} : vector<128x128xf32> to vector<128x1xf32>
    %sub3A_728 = vector.broadcast %slice3A_727 : vector<128x1xf32> to vector<128x3584xf32>
    %sub3A_729 = arith.subf %concatenate3A, %sub3A_728 : vector<128x3584xf32>
    %abs3A_730 = math.absf %sub3A_729 : vector<128x3584xf32>
    %dot_general3A_731 = arith.constant dense<0.000000e+00> : vector<1x3584xf32>
    %dot_general3A_732 = tpu.matmul %broadcast_in_dim3A_15, %abs3A_730, %dot_general3A_731 {dimension_numbers = #tpu.dot_dimension_numbers<[1], [0], [0], [1], [0, 0, 1, 1], [], []>, transpose_lhs_hint = false} : vector<1x128xf32>, vector<128x3584xf32>, vector<1x3584xf32> -> vector<1x3584xf32>
    %slice3A_733 = vector.extract_strided_slice %transpose3A_14 {offsets = [0, 120], sizes = [128, 1], strides = [1, 1]} : vector<128x128xf32> to vector<128x1xf32>
    %sub3A_734 = vector.broadcast %slice3A_733 : vector<128x1xf32> to vector<128x3584xf32>
    %sub3A_735 = arith.subf %concatenate3A, %sub3A_734 : vector<128x3584xf32>
    %abs3A_736 = math.absf %sub3A_735 : vector<128x3584xf32>
    %dot_general3A_737 = arith.constant dense<0.000000e+00> : vector<1x3584xf32>
    %dot_general3A_738 = tpu.matmul %broadcast_in_dim3A_15, %abs3A_736, %dot_general3A_737 {dimension_numbers = #tpu.dot_dimension_numbers<[1], [0], [0], [1], [0, 0, 1, 1], [], []>, transpose_lhs_hint = false} : vector<1x128xf32>, vector<128x3584xf32>, vector<1x3584xf32> -> vector<1x3584xf32>
    %slice3A_739 = vector.extract_strided_slice %transpose3A_14 {offsets = [0, 121], sizes = [128, 1], strides = [1, 1]} : vector<128x128xf32> to vector<128x1xf32>
    %sub3A_740 = vector.broadcast %slice3A_739 : vector<128x1xf32> to vector<128x3584xf32>
    %sub3A_741 = arith.subf %concatenate3A, %sub3A_740 : vector<128x3584xf32>
    %abs3A_742 = math.absf %sub3A_741 : vector<128x3584xf32>
    %dot_general3A_743 = arith.constant dense<0.000000e+00> : vector<1x3584xf32>
    %dot_general3A_744 = tpu.matmul %broadcast_in_dim3A_15, %abs3A_742, %dot_general3A_743 {dimension_numbers = #tpu.dot_dimension_numbers<[1], [0], [0], [1], [0, 0, 1, 1], [], []>, transpose_lhs_hint = false} : vector<1x128xf32>, vector<128x3584xf32>, vector<1x3584xf32> -> vector<1x3584xf32>
    %slice3A_745 = vector.extract_strided_slice %transpose3A_14 {offsets = [0, 122], sizes = [128, 1], strides = [1, 1]} : vector<128x128xf32> to vector<128x1xf32>
    %sub3A_746 = vector.broadcast %slice3A_745 : vector<128x1xf32> to vector<128x3584xf32>
    %sub3A_747 = arith.subf %concatenate3A, %sub3A_746 : vector<128x3584xf32>
    %abs3A_748 = math.absf %sub3A_747 : vector<128x3584xf32>
    %dot_general3A_749 = arith.constant dense<0.000000e+00> : vector<1x3584xf32>
    %dot_general3A_750 = tpu.matmul %broadcast_in_dim3A_15, %abs3A_748, %dot_general3A_749 {dimension_numbers = #tpu.dot_dimension_numbers<[1], [0], [0], [1], [0, 0, 1, 1], [], []>, transpose_lhs_hint = false} : vector<1x128xf32>, vector<128x3584xf32>, vector<1x3584xf32> -> vector<1x3584xf32>
    %slice3A_751 = vector.extract_strided_slice %transpose3A_14 {offsets = [0, 123], sizes = [128, 1], strides = [1, 1]} : vector<128x128xf32> to vector<128x1xf32>
    %sub3A_752 = vector.broadcast %slice3A_751 : vector<128x1xf32> to vector<128x3584xf32>
    %sub3A_753 = arith.subf %concatenate3A, %sub3A_752 : vector<128x3584xf32>
    %abs3A_754 = math.absf %sub3A_753 : vector<128x3584xf32>
    %dot_general3A_755 = arith.constant dense<0.000000e+00> : vector<1x3584xf32>
    %dot_general3A_756 = tpu.matmul %broadcast_in_dim3A_15, %abs3A_754, %dot_general3A_755 {dimension_numbers = #tpu.dot_dimension_numbers<[1], [0], [0], [1], [0, 0, 1, 1], [], []>, transpose_lhs_hint = false} : vector<1x128xf32>, vector<128x3584xf32>, vector<1x3584xf32> -> vector<1x3584xf32>
    %slice3A_757 = vector.extract_strided_slice %transpose3A_14 {offsets = [0, 124], sizes = [128, 1], strides = [1, 1]} : vector<128x128xf32> to vector<128x1xf32>
    %sub3A_758 = vector.broadcast %slice3A_757 : vector<128x1xf32> to vector<128x3584xf32>
    %sub3A_759 = arith.subf %concatenate3A, %sub3A_758 : vector<128x3584xf32>
    %abs3A_760 = math.absf %sub3A_759 : vector<128x3584xf32>
    %dot_general3A_761 = arith.constant dense<0.000000e+00> : vector<1x3584xf32>
    %dot_general3A_762 = tpu.matmul %broadcast_in_dim3A_15, %abs3A_760, %dot_general3A_761 {dimension_numbers = #tpu.dot_dimension_numbers<[1], [0], [0], [1], [0, 0, 1, 1], [], []>, transpose_lhs_hint = false} : vector<1x128xf32>, vector<128x3584xf32>, vector<1x3584xf32> -> vector<1x3584xf32>
    %slice3A_763 = vector.extract_strided_slice %transpose3A_14 {offsets = [0, 125], sizes = [128, 1], strides = [1, 1]} : vector<128x128xf32> to vector<128x1xf32>
    %sub3A_764 = vector.broadcast %slice3A_763 : vector<128x1xf32> to vector<128x3584xf32>
    %sub3A_765 = arith.subf %concatenate3A, %sub3A_764 : vector<128x3584xf32>
    %abs3A_766 = math.absf %sub3A_765 : vector<128x3584xf32>
    %dot_general3A_767 = arith.constant dense<0.000000e+00> : vector<1x3584xf32>
    %dot_general3A_768 = tpu.matmul %broadcast_in_dim3A_15, %abs3A_766, %dot_general3A_767 {dimension_numbers = #tpu.dot_dimension_numbers<[1], [0], [0], [1], [0, 0, 1, 1], [], []>, transpose_lhs_hint = false} : vector<1x128xf32>, vector<128x3584xf32>, vector<1x3584xf32> -> vector<1x3584xf32>
    %slice3A_769 = vector.extract_strided_slice %transpose3A_14 {offsets = [0, 126], sizes = [128, 1], strides = [1, 1]} : vector<128x128xf32> to vector<128x1xf32>
    %sub3A_770 = vector.broadcast %slice3A_769 : vector<128x1xf32> to vector<128x3584xf32>
    %sub3A_771 = arith.subf %concatenate3A, %sub3A_770 : vector<128x3584xf32>
    %abs3A_772 = math.absf %sub3A_771 : vector<128x3584xf32>
    %dot_general3A_773 = arith.constant dense<0.000000e+00> : vector<1x3584xf32>
    %dot_general3A_774 = tpu.matmul %broadcast_in_dim3A_15, %abs3A_772, %dot_general3A_773 {dimension_numbers = #tpu.dot_dimension_numbers<[1], [0], [0], [1], [0, 0, 1, 1], [], []>, transpose_lhs_hint = false} : vector<1x128xf32>, vector<128x3584xf32>, vector<1x3584xf32> -> vector<1x3584xf32>
    %slice3A_775 = vector.extract_strided_slice %transpose3A_14 {offsets = [0, 127], sizes = [128, 1], strides = [1, 1]} : vector<128x128xf32> to vector<128x1xf32>
    %sub3A_776 = vector.broadcast %slice3A_775 : vector<128x1xf32> to vector<128x3584xf32>
    %sub3A_777 = arith.subf %concatenate3A, %sub3A_776 : vector<128x3584xf32>
    %abs3A_778 = math.absf %sub3A_777 : vector<128x3584xf32>
    %dot_general3A_779 = arith.constant dense<0.000000e+00> : vector<1x3584xf32>
    %dot_general3A_780 = tpu.matmul %broadcast_in_dim3A_15, %abs3A_778, %dot_general3A_779 {dimension_numbers = #tpu.dot_dimension_numbers<[1], [0], [0], [1], [0, 0, 1, 1], [], []>, transpose_lhs_hint = false} : vector<1x128xf32>, vector<128x3584xf32>, vector<1x3584xf32> -> vector<1x3584xf32>
    %concatenate3A_781 = tpu.concatenate %dot_general3A_18, %dot_general3A_24, %dot_general3A_30, %dot_general3A_36, %dot_general3A_42, %dot_general3A_48, %dot_general3A_54, %dot_general3A_60, %dot_general3A_66, %dot_general3A_72, %dot_general3A_78, %dot_general3A_84, %dot_general3A_90, %dot_general3A_96, %dot_general3A_102, %dot_general3A_108, %dot_general3A_114, %dot_general3A_120, %dot_general3A_126, %dot_general3A_132, %dot_general3A_138, %dot_general3A_144, %dot_general3A_150, %dot_general3A_156, %dot_general3A_162, %dot_general3A_168, %dot_general3A_174, %dot_general3A_180, %dot_general3A_186, %dot_general3A_192, %dot_general3A_198, %dot_general3A_204, %dot_general3A_210, %dot_general3A_216, %dot_general3A_222, %dot_general3A_228, %dot_general3A_234, %dot_general3A_240, %dot_general3A_246, %dot_general3A_252, %dot_general3A_258, %dot_general3A_264, %dot_general3A_270, %dot_general3A_276, %dot_general3A_282, %dot_general3A_288, %dot_general3A_294, %dot_general3A_300, %dot_general3A_306, %dot_general3A_312, %dot_general3A_318, %dot_general3A_324, %dot_general3A_330, %dot_general3A_336, %dot_general3A_342, %dot_general3A_348, %dot_general3A_354, %dot_general3A_360, %dot_general3A_366, %dot_general3A_372, %dot_general3A_378, %dot_general3A_384, %dot_general3A_390, %dot_general3A_396, %dot_general3A_402, %dot_general3A_408, %dot_general3A_414, %dot_general3A_420, %dot_general3A_426, %dot_general3A_432, %dot_general3A_438, %dot_general3A_444, %dot_general3A_450, %dot_general3A_456, %dot_general3A_462, %dot_general3A_468, %dot_general3A_474, %dot_general3A_480, %dot_general3A_486, %dot_general3A_492, %dot_general3A_498, %dot_general3A_504, %dot_general3A_510, %dot_general3A_516, %dot_general3A_522, %dot_general3A_528, %dot_general3A_534, %dot_general3A_540, %dot_general3A_546, %dot_general3A_552, %dot_general3A_558, %dot_general3A_564, %dot_general3A_570, %dot_general3A_576, %dot_general3A_582, %dot_general3A_588, %dot_general3A_594, %dot_general3A_600, %dot_general3A_606, %dot_general3A_612, %dot_general3A_618, %dot_general3A_624, %dot_general3A_630, %dot_general3A_636, %dot_general3A_642, %dot_general3A_648, %dot_general3A_654, %dot_general3A_660, %dot_general3A_666, %dot_general3A_672, %dot_general3A_678, %dot_general3A_684, %dot_general3A_690, %dot_general3A_696, %dot_general3A_702, %dot_general3A_708, %dot_general3A_714, %dot_general3A_720, %dot_general3A_726, %dot_general3A_732, %dot_general3A_738, %dot_general3A_744, %dot_general3A_750, %dot_general3A_756, %dot_general3A_762, %dot_general3A_768, %dot_general3A_774, %dot_general3A_780 in 0 : vector<1x3584xf32>, vector<1x3584xf32>, vector<1x3584xf32>, vector<1x3584xf32>, vector<1x3584xf32>, vector<1x3584xf32>, vector<1x3584xf32>, vector<1x3584xf32>, vector<1x3584xf32>, vector<1x3584xf32>, vector<1x3584xf32>, vector<1x3584xf32>, vector<1x3584xf32>, vector<1x3584xf32>, vector<1x3584xf32>, vector<1x3584xf32>, vector<1x3584xf32>, vector<1x3584xf32>, vector<1x3584xf32>, vector<1x3584xf32>, vector<1x3584xf32>, vector<1x3584xf32>, vector<1x3584xf32>, vector<1x3584xf32>, vector<1x3584xf32>, vector<1x3584xf32>, vector<1x3584xf32>, vector<1x3584xf32>, vector<1x3584xf32>, vector<1x3584xf32>, vector<1x3584xf32>, vector<1x3584xf32>, vector<1x3584xf32>, vector<1x3584xf32>, vector<1x3584xf32>, vector<1x3584xf32>, vector<1x3584xf32>, vector<1x3584xf32>, vector<1x3584xf32>, vector<1x3584xf32>, vector<1x3584xf32>, vector<1x3584xf32>, vector<1x3584xf32>, vector<1x3584xf32>, vector<1x3584xf32>, vector<1x3584xf32>, vector<1x3584xf32>, vector<1x3584xf32>, vector<1x3584xf32>, vector<1x3584xf32>, vector<1x3584xf32>, vector<1x3584xf32>, vector<1x3584xf32>, vector<1x3584xf32>, vector<1x3584xf32>, vector<1x3584xf32>, vector<1x3584xf32>, vector<1x3584xf32>, vector<1x3584xf32>, vector<1x3584xf32>, vector<1x3584xf32>, vector<1x3584xf32>, vector<1x3584xf32>, vector<1x3584xf32>, vector<1x3584xf32>, vector<1x3584xf32>, vector<1x3584xf32>, vector<1x3584xf32>, vector<1x3584xf32>, vector<1x3584xf32>, vector<1x3584xf32>, vector<1x3584xf32>, vector<1x3584xf32>, vector<1x3584xf32>, vector<1x3584xf32>, vector<1x3584xf32>, vector<1x3584xf32>, vector<1x3584xf32>, vector<1x3584xf32>, vector<1x3584xf32>, vector<1x3584xf32>, vector<1x3584xf32>, vector<1x3584xf32>, vector<1x3584xf32>, vector<1x3584xf32>, vector<1x3584xf32>, vector<1x3584xf32>, vector<1x3584xf32>, vector<1x3584xf32>, vector<1x3584xf32>, vector<1x3584xf32>, vector<1x3584xf32>, vector<1x3584xf32>, vector<1x3584xf32>, vector<1x3584xf32>, vector<1x3584xf32>, vector<1x3584xf32>, vector<1x3584xf32>, vector<1x3584xf32>, vector<1x3584xf32>, vector<1x3584xf32>, vector<1x3584xf32>, vector<1x3584xf32>, vector<1x3584xf32>, vector<1x3584xf32>, vector<1x3584xf32>, vector<1x3584xf32>, vector<1x3584xf32>, vector<1x3584xf32>, vector<1x3584xf32>, vector<1x3584xf32>, vector<1x3584xf32>, vector<1x3584xf32>, vector<1x3584xf32>, vector<1x3584xf32>, vector<1x3584xf32>, vector<1x3584xf32>, vector<1x3584xf32>, vector<1x3584xf32>, vector<1x3584xf32>, vector<1x3584xf32>, vector<1x3584xf32>, vector<1x3584xf32>, vector<1x3584xf32>, vector<1x3584xf32>, vector<1x3584xf32>, vector<1x3584xf32>, vector<1x3584xf32> -> vector<128x3584xf32>
    %sub3A_782 = arith.constant 9.000000e+00 : f32
    %sub3A_783 = vector.broadcast %sub3A_782 : f32 to vector<128x3584xf32>
    %sub3A_784 = arith.subf %sub3A_783, %concatenate3A_781 : vector<128x3584xf32>
    %logistic3A = arith.negf %sub3A_784 : vector<128x3584xf32>
    %logistic3A_785 = math.exp %logistic3A : vector<128x3584xf32>
    %logistic3A_786 = arith.constant 1.000000e+00 : f32
    %logistic3A_787 = vector.broadcast %logistic3A_786 : f32 to vector<128x3584xf32>
    %logistic3A_788 = arith.addf %logistic3A_787, %logistic3A_785 : vector<128x3584xf32>
    %logistic3A_789 = arith.divf %logistic3A_787, %logistic3A_788 : vector<128x3584xf32>
    %swap3A = arith.constant 0 : index
    %swap3A_790 = arith.constant 0 : index
    %swap3A_791 = vector.load %arg3[%swap3A, %swap3A_790] : memref<128x3584xf32, #tpu.memory_space<vmem>>, vector<128x3584xf32>
    tpu.vector_store %arg3[%swap3A, %swap3A_790], %logistic3A_789 {strides = array<i32>} : memref<128x3584xf32, #tpu.memory_space<vmem>>, vector<128x3584xf32>,
    return
  }
  func.func @transform_0(%arg0: i32) -> (i32, i32) {
    %c0_i32 = arith.constant 0 : i32
    %c0_i32_0 = arith.constant 0 : i32
    return %arg0, %c0_i32 : i32, i32
  }
  func.func @transform_1(%arg0: i32) -> (i32, i32) {
    %c0_i32 = arith.constant 0 : i32
    %c0_i32_0 = arith.constant 0 : i32
    %c0_i32_1 = arith.constant 0 : i32
    return %c0_i32, %c0_i32_0 : i32, i32
  }
  func.func @transform_2(%arg0: i32) -> (i32, i32) {
    %c0_i32 = arith.constant 0 : i32
    %c0_i32_0 = arith.constant 0 : i32
    return %c0_i32, %arg0 : i32, i32
  }
}

</mosaic_0001>

<sc_bundles>
// kernel: kernel.5.cloned.1.call-start
scs
__scs_entry_jumppad:
0x0: {  	(pc) =	sbr.rel $0x88, $3  }
0x1: {  	(tag) =	ssettag $0x0;
	lr =	simm.s32 $0x1  }
0x2: {  	[smem:$0x3F9E] =	sst lr;
	_ =	strace $0xD0000000  }
0x3: {  	_ = 	snop  }
0x4: {  	_ = 	snop  }
0x5: {  	_ = 	snop  }
0x6: {  	_ = 	snop  }
0x7: {  	_ = 	snop  }
__scs_overlays_trampoline_lowered:
0x8: {  	[smem:$0x3FAD] =	sst s0  }
0x9: {  	[smem:$0x3FAE] =	sst s1  }
0xa: {  	[smem:$0x3FAF] =	sst s2  }
0xb: {  	[smem:$0x3FB0] =	sst s3  }
0xc: {  	[smem:$0x3FB1] =	sst s4  }
0xd: {  	[smem:$0x3FB2] =	sst s5  }
0xe: {  	[smem:$0x3FB3] =	sst s6  }
0xf: {  	[smem:$0x3FB4] =	sst s7  }
0x10: {  	[smem:$0x3FB5] =	sst s8  }
0x11: {  	[smem:$0x3FB6] =	sst s9;
	s0 =	simm.s32 @!p0 $0x0  }
0x12: {  	s1 =	sld [smem:$0x3F9C];
	s0 =	simm.s32 @p0 $0x1  }
0x13: {  	[smem:$0x3FB7] =	sst s0;
	s0 =	simm.s32 @!p1 $0x0  }
0x14: {  	s2 =	sld [smem:$0x3F9B];
	s0 =	simm.s32 @p1 $0x1  }
0x15: {  	[smem:$0x3FB8] =	sst s0;
	s0 =	simm.s32 @!p2 $0x0  }
0x16: {  	s3 =	sld [smem:$0x3FDB];
	s0 =	simm.s32 @p2 $0x1  }
0x17: {  	s4 =	simm.s32 $0x1BF5;
	[smem:$0x3FBA] =	sst s0  }
0x18: {  	s0 =	sld [smem:$0x3F9D];
	_ =	swait.ge [sflag:s4], $0x0  }
0x19: {  	s7 =	sld [smem:$0x3F9E]  }
0x1a: {  	s8 =	sadd.s32 $0xFFFFE003, lr  }
0x1b: {  	s9 =	sadd.s32 $0xFFFFFEF7, lr;
	s5 =	simm.s32 $0xFFFFFFFF;
	p2 =	slt.u32 s8, $0xFFFFF086  }
0x1c: {  	p1 =	slt.u32 s9, $0xF7A;
	s5 =	simm.s32 @!p2 $0x0  }
0x1d: {  	s5 =	simm.s32 @p1 $0x1;
	p0 =	seq.s32 s7, s2  }
0x1e: {  	s7 =	smul.u32 @!p0 $0xF7A, s2;
	p2 =	seq.s32 @!p0 s5, $0x0  }
0x1f: {  	s9 =	smul.u32 $0xF7A, s1;
	s8 =	simm.s32 @!p0 $0x1BF5;
	p2 =	por !p2, p0  }
0x20: {  	[sflag:s8] =	ssyncset.s32 @!p0 $0xFFFFF086;
	s6 =	sadd.s32 @!p0 s3, s7;
	s7 =	simm.s32 @!p0 $0x108  }
0x21: {  	s3 =	sadd.s32 s3, s9;
	s6 =	sadd.s32 @!p0 $0x88, s6;
	s7 =	simm.s32 @p2 $0x1082  }
0x22: {  	[simem:s7], [sflag:s8] =	dma.local @!p0 [hbm:s6], $0xF7A  }
0x23: {  	s9 =	sor.u32 $0xD0000000, s2;
	s6 =	simm.s32 $0x108;
	_ =	swait.ge @!p0 [sflag:s8], $0x0  }
0x24: {  	s3 =	sadd.s32 $0x88, s3;
	s6 =	simm.s32 @!p1 $0x1082;
	[sflag:s4] =	ssyncset.s32 $0xFFFFF086  }
0x25: {  	[simem:s6], [sflag:s4] =	dma.local [hbm:s3], $0xF7A  }
0x26: {  	[smem:$0x3F9E] =	sst s1;
	(tag) =	ssettag s2;
	_ =	strace s9  }
0x27: {  	s1 =	sld [smem:$0x3FAE]  }
0x28: {  	s2 =	sld [smem:$0x3FAF]  }
0x29: {  	s4 =	sld [smem:$0x3FB1]  }
0x2a: {  	p0 =	seq.s32 s5, $0x0;
	s5 =	sld [smem:$0x3FB2]  }
0x2b: {  	s6 =	sld [smem:$0x3FB3]  }
0x2c: {  	s7 =	sld [smem:$0x3FB4]  }
0x2d: {  	s3 =	simm.s32 $0x108;
	s8 =	sld [smem:$0x3FB5]  }
0x2e: {  	s3 =	simm.s32 @!p0 $0x1082;
	s9 =	sld [smem:$0x3FB6]  }
0x2f: {  	lr =	sadd.s32 s0, s3;
	s0 =	sld [smem:$0x3FAD]  }
0x30: {  	s3 =	sld [smem:$0x3FB0]  }
0x31: {  	[smem:$0x3FB9] =	sst s10  }
0x32: {  	s10 =	sld [smem:$0x3FB7];
	_ =	sdelay $0x3  }
0x33: {  	p0 =	seq.s32 s10, $0x1;
	s10 =	sld [smem:$0x3FB9];
	_ =	sdelay $0x3  }
0x34: {  	[smem:$0x3FB9] =	sst s10  }
0x35: {  	s10 =	sld [smem:$0x3FB8];
	_ =	sdelay $0x3  }
0x36: {  	p1 =	seq.s32 s10, $0x1;
	s10 =	sld [smem:$0x3FB9];
	_ =	sdelay $0x3  }
0x37: {  	[smem:$0x3FB9] =	sst s10  }
0x38: {  	s10 =	sld [smem:$0x3FBA]  }
0x39: {  	_ = 	snop;
	(pc) =	sbr.ind lr, $3  }
0x3a: {  	_ = 	snop  }
0x3b: {  	_ = 	snop  }
0x3c: {  	p2 =	seq.s32 s10, $0x1;
	s10 =	sld [smem:$0x3FB9]  }
0x3d: {  	_ =	shalt  }
0x3e: {  	_ =	shalt  }
0x3f: {  	_ =	shalt  }
0x40: {  	_ =	shalt  }
0x41: {  	_ =	shalt  }
0x42: {  	_ =	shalt  }
0x43: {  	_ =	shalt  }
0x44: {  	_ =	shalt  }
0x45: {  	_ =	shalt  }
0x46: {  	_ =	shalt  }
0x47: {  	_ =	shalt  }
0x48: {  	_ =	shalt  }
0x49: {  	_ =	shalt  }
0x4a: {  	_ =	shalt  }
0x4b: {  	_ =	shalt  }
0x4c: {  	_ =	shalt  }
0x4d: {  	_ =	shalt  }
0x4e: {  	_ =	shalt  }
0x4f: {  	_ =	shalt  }
0x50: {  	_ =	shalt  }
0x51: {  	_ =	shalt  }
0x52: {  	_ =	shalt  }
0x53: {  	_ =	shalt  }
0x54: {  	_ =	shalt  }
0x55: {  	_ =	shalt  }
0x56: {  	_ =	shalt  }
0x57: {  	_ =	shalt  }
0x58: {  	_ =	shalt  }
0x59: {  	_ =	shalt  }
0x5a: {  	_ =	shalt  }
0x5b: {  	_ =	shalt  }
0x5c: {  	_ =	shalt  }
0x5d: {  	_ =	shalt  }
0x5e: {  	_ =	shalt  }
0x5f: {  	_ =	shalt  }
0x60: {  	_ =	shalt  }
0x61: {  	_ =	shalt  }
0x62: {  	_ =	shalt  }
0x63: {  	_ =	shalt  }
0x64: {  	_ =	shalt  }
0x65: {  	_ =	shalt  }
0x66: {  	_ =	shalt  }
0x67: {  	_ =	shalt  }
0x68: {  	_ =	shalt  }
0x69: {  	_ =	shalt  }
0x6a: {  	_ =	shalt  }
0x6b: {  	_ =	shalt  }
0x6c: {  	_ =	shalt  }
0x6d: {  	_ =	shalt  }
0x6e: {  	_ =	shalt  }
0x6f: {  	_ =	shalt  }
0x70: {  	_ =	shalt  }
0x71: {  	_ =	shalt  }
0x72: {  	_ =	shalt  }
0x73: {  	_ =	shalt  }
0x74: {  	_ =	shalt  }
0x75: {  	_ =	shalt  }
0x76: {  	_ =	shalt  }
0x77: {  	_ =	shalt  }
0x78: {  	_ =	shalt  }
0x79: {  	_ =	shalt  }
0x7a: {  	_ =	shalt  }
0x7b: {  	_ =	shalt  }
0x7c: {  	_ =	shalt  }
0x7d: {  	_ =	shalt  }
0x7e: {  	_ =	shalt  }
0x7f: {  	_ =	shalt  }
0x80: {  	_ =	shalt  }
0x81: {  	_ =	shalt  }
0x82: {  	_ =	shalt  }
0x83: {  	_ =	shalt  }
0x84: {  	_ =	shalt  }
0x85: {  	_ =	shalt  }
0x86: {  	_ =	shalt  }
0x87: {  	_ =	shalt  }
.Lfunc_end0:
.L_simem_size_0:
called_computation_lowered:
.L_overlay_start_0:
0x88: {  	s2 =	sld [smem:$0x3FD9]  }
0x89: {  	s3 =	sld [smem:$0x3FFE];
	_ =	sdelay $0x1  }
0x8a: {  	s1 =	srdreg.scid  }
0x8b: {  	s0 =	sand.u32 $0x1, s1  }
0x8c: {  	s17 =	sshll.u32 s0, $0xA;
	s2 =	sadd.s32 s3, s2  }
0x8d: {  	s2 =	sadd.s32 s2, s17  }
0x8e: {  	[smem:$0x3FC5] =	sst s2  }
0x8f: {  	_ = 	snop  }
0x90: {  	s2 =	sld [smem:$0x3FC8]  }
0x91: {  	s18 =	sld [smem:$0x3FD0];
	(tm) =	ssettm $0x1  }
0x92: {  	s4 =	sld [smem:$0x3FFB];
	_ =	sdelay $0x3  }
0x93: {  	_ =	strace s4  }
0x94: {  	s4 =	sld [smem:$0x3FFC];
	_ =	sdelay $0x3  }
0x95: {  	_ =	strace s4  }
0x96: {  	s4 =	sld [smem:$0x3FFD];
	_ =	sdelay $0x3  }
0x97: {  	_ =	strace s4  }
0x98: {  	_ =	strace $0x8FFFFFFF  }
0x99: {  	s19 =	sld [smem:$0x3FDB];
	_ =	sdelay $0x1  }
0x9a: {  	s5 =	simm.s32 $_scs_section_size  }
0x9b: {  	s6 =	simm.s32 $_size__tile_overlayer_lowered;
	s7 =	simm.s32 $_tile_overlayer_lowered  }
0x9c: {  	s22 =	simm.s32 $0x1BFF;
	s21 =	sshll.u32 s7, $0x1;
	s4 =	sadd.s32 s5, s19  }
0x9d: {  	s8 =	simm.s32 $0x0;
	s20 =	sshll.u32 s6, $0x1;
	s6 =	sadd.s32 s21, s4  }
0x9e: {  	[timem:s8], [sflag:s22] =	dma.local [hbm:s6], s20  }
0x9f: {  	_ =	swait.ge [sflag:s22], s20  }
0xa0: {  	s5 =	ssub.s32 $0x0, s20;
	[sflag:s22] =	ssyncset.done $0x0  }
0xa1: {  	[sflag:s22] =	ssyncadd.s32 s5;
	_ =	sdelay $0x1  }
0xa2: {  	s23 =	simm.s32 $0x1B8B  }
0xa3: {  	_ =	swait.ge [sflag:s23], $0x1  }
0xa4: {  	[sflag:s23] =	ssyncset.done $0x0  }
0xa5: {  	s25 =	simm.s32 $0x1B8E;
	s24 =	sld [smem:$0x3FFE];
	[sflag:s23] =	ssyncadd.s32 $0xFFFFFFFF  }
0xa6: {  	s26 =	simm.s32 $execute0_lowered;
	[smem:$0x3FD2] =	sst s25  }
0xa7: {  	s6 =	sshll.u32 s26, $0x1;
	_ =	strace $0x80000046;
	[dreg:$0x1] =	wrdreg $0xFFFFFFFF  }
0xa8: {  	s28 =	simm.s32 $_size_execute0_lowered;
	s4 =	sadd.s32 s4, s6;
	[dreg:$0x0] =	wrdreg $0x0  }
0xa9: {  	s6 =	sshll.u32 s28, $0x1;
	[dreg:$0x2] =	wrdreg s4  }
0xaa: {  	[dreg:$0x3] =	wrdreg s6  }
0xab: {  	[dreg:$0x4] =	wrdreg $0xC0  }
0xac: {  	_ =	task [dreg:s8], $0x5FFFF  }
0xad: {  	[dreg:$0x1] =	wrdreg $0xFFFFFFFF  }
0xae: {  	[dreg:$0x0] =	wrdreg $0x60  }
0xaf: {  	[dreg:$0x2] =	wrdreg s2  }
0xb0: {  	[dreg:$0x3] =	wrdreg s24  }
0xb1: {  	[dreg:$0x4] =	wrdreg s18  }
0xb2: {  	[dreg:$0x5] =	wrdreg $0x9  }
0xb3: {  	_ =	task.clear_ibuf [dreg:s8], $0x6FFFF;
	_ =	strace $0x90000046  }
0xb4: {  	s29 =	simm.s32 $0x9;
	_ =	strace $0x80000048  }
0xb5: {  	_ =	swait.ge [sflag:s29], $0x1  }
0xb6: {  	[sflag:s29] =	ssyncadd.s32 $0xFFFFFFFF  }
0xb7: {  	_ =	strace $0x90000048  }
0xb8: {  	_ =	sfence  }
0xb9: {  	s30 =	sld [smem:$0x0];
	_ =	sdelay $0x2  }
0xba: {  	s31 =	sshll.u32 s1, $0xD;
	s1 =	sshrl.u32 s1, $0x2  }
0xbb: {  	s3 =	sand.u32 $0x4000, s31;
	s1 =	sadd.s32 s1, s30  }
0xbc: {  	s0 =	sor.u32 s3, s0;
	s1 =	sshll.u32 s1, $0x11  }
0xbd: {  	s0 =	sor.u32 s1, s0  }
0xbe: {  	s0 =	sadd.s32 $0x8F2B, s0  }
0xbf: {  	[sflag:s0] =	ssyncadd.remote.s32 $0x1  }
0xc0: {  	_ =	sfence.sel $0xFFFF  }
0xc1: {  	[dreg:$0x0] =	wrdreg $0xFFFFFFFF;
	(pc) =	sbr.abs _section_cstart, $3  }
0xc2: {  	[dreg:$0x1] =	wrdreg $0xFFFFFFFF  }
0xc3: {  	_ =	task.clear_ibuf [dreg:s8], $0x2FFFF;
	_ =	strace $0x9FFFFFFF  }
0xc4: {  	(tm) =	ssettm $0x7FFFFFFF  }
0xc5: {  	_ =	shalt  }
tec
execute0_lowered:
.L_overlay_start_1:
0x0: {  	(tag) =	ssettag $0x1  }
0x1: {  	s1 =	srdreg.scid;
	s0 =	stileid.u32  }
0x2: {  	s5 =	sand.u32 $0x1, s1;
	s29 =	sshll.u32 s0, $0x1  }
0x3: {  	s6 =	rddreg [dreg:$0x1];
	s7 =	sor.u32 s5, s29  }
0x4: {  	s5 =	ssub.s32 $0x2, s5;
	s8 =	sshll.u32 s7, $0x3;
	s10 =	sadd.s32 s7, s6  }
0x5: {  	s7 =	sshll.u32 s7, $0x7;
	s30 =	sshrl.u32 s5, $0x1;
	s8 =	sadd.s32 $0xFFFFFF80, s8  }
0x6: {  	s7 =	sadd.s32 s7, s6;
	s9 =	sshrl.u32 s8, $0x3;
	s8 =	sshll.u32 s8, $0x4  }
0x7: {  	s9 =	sadd.s32 s9, s6;
	s6 =	sadd.s32 s8, s6;
	s8 =	ssub.s32 s5, s30  }
0x8: {  	s31 =	smax.u32 s8, $0x1  }
0x9: {  	s2 =	rddreg [dreg:$0x0];
	s20 =	sadd.s32 $0xFFFFFFFF, s31  }
0xa: {  	s4 =	rddreg [dreg:$0x2];
	s3 =	simm.s32 $0x0;
	p2 =	sne.s32 s20, $0x0  }
.Ltmp0:
0xb: {  	p1 =	por $0x0, $0x0;
	[smem:$0x7FF] =	sst s3;
	(pc) =	sbr.rel @!p2 .LBB2_3-.Ltmp0, $4  }
0xc: {  	s1 =	rddreg [dreg:$0x3];
	p0 =	sgt.u32 s0, $0x7;
	_ =	strace $0x80000047  }
0xd: {  	s11 =	simm.s32 @p0 $0x0;
	s5 =	sadd.s32 $0x1200, s7;
	s7 =	simm.s32 $0x1  }
0xe: {  	s9 =	sadd.s32 $0xE00, s9;
	s6 =	sadd.s32 $0x1A00, s6;
	s8 =	sadd.s32 $0x1000, s10  }
0xf: {  	s10 =	simm.s32 @p0 $0x2;
	s5 =	smov.u32 @p0 s6;
	s6 =	simm.s32 $0x2  }
0x10: {  	s12 =	simm.s32 @p0 $0x480  }
0x11: {  	[tilespmem:s12], [sflag:$0x2] =	stream.linear.gather @p0 [hbm4b:s9+s11], $0x8, $0x38;
	[tilespmem:$0x900] =	vst v63  }
0x12: {  	_ =	swait.ge @p0 [sflag:s10], $0x8  }
0x13: {  	[sflag:s10] =	ssyncset.done @p0 $0x0  }
0x14: {  	s13 =	simm.s32 @p0 $0x8;
	s14 =	simm.s32 @p0 $0x500;
	[sflag:s10] =	ssyncadd.s32 @p0 $0xFFFFFFF8  }
0x15: {  	[tilespmem:s14], [sflag:$0x1] =	stream.indirect.gather @p0 [hbm4b:s4+s13], $0x80, s12, s13, $0xb8;
	[tilespmem:$0x900] =	vst v63  }
0x16: {  	s15 =	simm.s32 @!p0 $0x0;
	s16 =	simm.s32 @!p0 $0x2  }
0x17: {  	[tilespmem:s15], [sflag:$0x2] =	stream.linear.gather @!p0 [hbm4b:s8+s15], $0x8, $0x38;
	[tilespmem:$0x900] =	vst v63  }
0x18: {  	_ =	swait.ge @!p0 [sflag:s16], $0x8  }
0x19: {  	s17 =	simm.s32 @!p0 $0x8;
	[sflag:s16] =	ssyncset.done @!p0 $0x0  }
0x1a: {  	s18 =	simm.s32 @!p0 $0x80;
	s20 =	sadd.s32 $0xFFFFFFFF, s20;
	[sflag:s16] =	ssyncadd.s32 @!p0 $0xFFFFFFF8  }
0x1b: {  	[tilespmem:s18], [sflag:$0x1] =	stream.indirect.gather @!p0 [hbm4b:s2+s17], $0x80, s15, s17, $0xb8;
	[tilespmem:$0x900] =	vst v63  }
0x1c: {  	p2 =	sne.s32 s20, $0x0;
	_ =	swait.ge [sflag:s7], $0x400  }
.Ltmp1:
0x1d: {  	s19 =	simm.s32 @!p0 $0x80;
	[sflag:s7] =	ssyncset.done $0x0;
	(pc) =	sbr.rel @!p2 .LBB2_3-.Ltmp1, $4  }
0x1e: {  	s19 =	simm.s32 @p0 $0x500;
	[sflag:s7] =	ssyncadd.s32 $0xFFFFFC00  }
0x1f: {  	[hbm4b:s5+s3] =	stream.linear.scatter [tilespmem:s19], [sflag:$0x2], $0x400, $0x38;
	[tilespmem:$0x900] =	vst v63  }
0x20: {  	_ =	swait.ge [sflag:s6], $0x400  }
0x21: {  	p1 =	por $0x1, $0x1;
	[sflag:s6] =	ssyncset.done $0x0  }
.LBB2_2:
0x22: {  	s21 =	simm.s32 @p0 $0x0;
	[sflag:s6] =	ssyncadd.s32 $0xFFFFFC00  }
0x23: {  	[tilespmem:s12], [sflag:$0x2] =	stream.linear.gather @p0 [hbm4b:s9+s11], $0x8, $0x38;
	[tilespmem:$0x900] =	vst v63  }
0x24: {  	s20 =	sadd.s32 $0xFFFFFFFF, s20;
	s11 =	smov.u32 s21;
	_ =	swait.ge @p0 [sflag:s10], $0x8  }
0x25: {  	p2 =	sne.s32 s20, $0x0;
	[sflag:s10] =	ssyncset.done @p0 $0x0  }
0x26: {  	[sflag:s10] =	ssyncadd.s32 @p0 $0xFFFFFFF8  }
0x27: {  	[tilespmem:s14], [sflag:$0x1] =	stream.indirect.gather @p0 [hbm4b:s4+s13], $0x80, s12, s13, $0xb8;
	[tilespmem:$0x900] =	vst v63  }
0x28: {  	_ = 	snop  }
0x29: {  	[tilespmem:s15], [sflag:$0x2] =	stream.linear.gather @!p0 [hbm4b:s8+s15], $0x8, $0x38;
	[tilespmem:$0x900] =	vst v63  }
0x2a: {  	_ =	swait.ge @!p0 [sflag:s16], $0x8  }
0x2b: {  	[sflag:s16] =	ssyncset.done @!p0 $0x0  }
0x2c: {  	[sflag:s16] =	ssyncadd.s32 @!p0 $0xFFFFFFF8  }
0x2d: {  	[tilespmem:s18], [sflag:$0x1] =	stream.indirect.gather @!p0 [hbm4b:s2+s17], $0x80, s15, s17, $0xb8;
	[tilespmem:$0x900] =	vst v63  }
0x2e: {  	_ =	swait.ge [sflag:s7], $0x400  }
.Ltmp2:
0x2f: {  	[sflag:s7] =	ssyncset.done $0x0;
	(pc) =	sbr.rel @p2 .LBB2_2-.Ltmp2, $4  }
0x30: {  	[sflag:s7] =	ssyncadd.s32 $0xFFFFFC00  }
0x31: {  	[hbm4b:s5+s3] =	stream.linear.scatter [tilespmem:s19], [sflag:$0x2], $0x400, $0x38;
	[tilespmem:$0x900] =	vst v63  }
0x32: {  	_ =	swait.ge [sflag:s6], $0x400  }
0x33: {  	[sflag:s6] =	ssyncset.done $0x0  }
.LBB2_3:
0x34: {  	s12 =	simm.s32 @p0 $0x480;
	[sflag:s6] =	ssyncadd.s32 @p1 $0xFFFFFC00  }
0x35: {  	[tilespmem:s12], [sflag:$0x2] =	stream.linear.gather @p0 [hbm4b:s9+s11], $0x8, $0x38;
	[tilespmem:$0x900] =	vst v63  }
0x36: {  	_ =	swait.ge @p0 [sflag:s10], $0x8  }
0x37: {  	[sflag:s10] =	ssyncset.done @p0 $0x0  }
0x38: {  	s9 =	simm.s32 @p0 $0x8;
	[sflag:s10] =	ssyncadd.s32 @p0 $0xFFFFFFF8;
	s10 =	simm.s32 @p0 $0x500  }
0x39: {  	[tilespmem:s10], [sflag:$0x1] =	stream.indirect.gather @p0 [hbm4b:s4+s9], $0x80, s12, s9, $0xb8;
	[tilespmem:$0x900] =	vst v63  }
0x3a: {  	s4 =	simm.s32 @!p0 $0x0;
	s9 =	simm.s32 @!p0 $0x2  }
0x3b: {  	[tilespmem:s4], [sflag:$0x2] =	stream.linear.gather @!p0 [hbm4b:s8+s4], $0x8, $0x38;
	[tilespmem:$0x900] =	vst v63  }
0x3c: {  	_ =	swait.ge @!p0 [sflag:s9], $0x8  }
0x3d: {  	[sflag:s9] =	ssyncset.done @!p0 $0x0  }
0x3e: {  	s8 =	simm.s32 @!p0 $0x8;
	[sflag:s9] =	ssyncadd.s32 @!p0 $0xFFFFFFF8;
	s9 =	simm.s32 @!p0 $0x80  }
0x3f: {  	[tilespmem:s9], [sflag:$0x1] =	stream.indirect.gather @!p0 [hbm4b:s2+s8], $0x80, s4, s8, $0xb8;
	[tilespmem:$0x900] =	vst v63  }
0x40: {  	_ =	swait.ge [sflag:s7], $0x400  }
0x41: {  	[sflag:s7] =	ssyncset.done $0x0  }
0x42: {  	s9 =	simm.s32 @p0 $0x500;
	[sflag:s7] =	ssyncadd.s32 $0xFFFFFC00  }
0x43: {  	[hbm4b:s5+s3] =	stream.linear.scatter [tilespmem:s9], [sflag:$0x2], $0x400, $0x38;
	[tilespmem:$0x900] =	vst v63  }
0x44: {  	_ =	swait.ge [sflag:s6], $0x400  }
0x45: {  	[sflag:s6] =	ssyncset.done $0x0  }
0x46: {  	[sflag:s6] =	ssyncadd.s32 $0xFFFFFC00  }
0x47: {  	_ =	sfence.sel $0x180000  }
0x48: {  	[bflag:$0x0] =	sbarrier.arrive $0xFFFF  }
0x49: {  	p0 =	sne.s32 s0, $0x0;
	_ =	strace $0x90000047  }
0x4a: {  	s0 =	sadd.s32 @!p0 $0x100000, s1;
	[bflag:$0x2] =	sbarrier.arrive $0xFFFF  }
0x4b: {  	[sflag:s0] =	ssyncadd.tile.s32 @!p0 $0x1;
	_ =	shalt  }
.Lfunc_end2:
_tile_overlayer_lowered:
.L_overlay_start_2:
0x4c: {  	(tag) =	ssettag $0x2  }
0x4d: {  	s0 =	rddreg [dreg:$0x0];
	s2 =	stileid.u32  }
0x4e: {  	s1 =	rddreg [dreg:$0x1];
	p0 =	sne.s32 s2, $0x0  }
0x4f: {  	s3 =	rddreg [dreg:$0x2];
	[bflag:$0x3] =	sbarrier.arrive $0xFFFF;
	s2 =	simm.s32 @!p0 $0x1C02  }
0x50: {  	[timem:s3], [sflag:s2] =	dma.local @!p0 [hbm:s0], s1  }
0x51: {  	s0 =	simm.s32 @!p0 $0x2  }
0x52: {  	_ =	swait.ge @!p0 [sflag:s0], s1  }
0x53: {  	s1 =	ssub.s32 @!p0 $0x0, s1;
	[sflag:s0] =	ssyncset.done @!p0 $0x0  }
0x54: {  	[sflag:s0] =	ssyncadd.s32 @!p0 s1  }
0x55: {  	[bflag:$0x3] =	sbarrier.arrive $0xFFFF  }
0x56: {  	_ =	shalt  }

</sc_bundles>
